<compile_context>
chip_gen: v7x
topology: tpu7x:2x2x1
jax: 0.10.2.dev20260603
libtpu: 0.0.44.dev20260713+nightly
codegen_flags: <defaults>
</compile_context>

<pallas_src>
import functools

import jax
import jax.numpy as jnp
from jax import lax
from jax.experimental import pallas as pl
from jax.experimental.pallas import tpu as pltpu
from jax.experimental.pallas import tpu_sc as plsc

N = 10000
E = 320000
D = 128
B = 16

R = 5000
NB = N // R
NCORE = 2
NSUB = 16
NT = NCORE * NSUB
EPT = E // NT
CH = 125
CHUNKS = EPT // CH
N_PAD = 10240
RPT = N_PAD // NSUB


def _vn_add_body(x_ref, vn_ref, o_ref):
    o_ref[...] = x_ref[...] + vn_ref[...]


def _sc_agg_body(hin_hbm, eidx_hbm, zero_hbm, out_hbm,
                 src_v, dst_v, rows_v, agg_sh, sem_is, sem_id, sem_g, sem_s):
    cid = lax.axis_index("c")
    sid = lax.axis_index("s")
    wid = cid * NSUB + sid
    pltpu.sync_copy(zero_hbm, rows_v.at[0, pl.ds(0, 120)])
    for piece in range(5):
        pltpu.sync_copy(rows_v.at[0, pl.ds(0, 120)],
                        agg_sh.at[pl.ds(sid * RPT + 120 * piece, 120)])
    pltpu.sync_copy(rows_v.at[0, pl.ds(0, 40)],
                    agg_sh.at[pl.ds(sid * RPT + 600, 40)])
    pltpu.sync_copy(eidx_hbm.at[0, wid, 0], src_v.at[0])
    pltpu.sync_copy(eidx_hbm.at[1, wid, 0], dst_v.at[0])
    pltpu.async_copy(eidx_hbm.at[0, wid, 1], src_v.at[1], sem_is.at[1])
    pltpu.async_copy(eidx_hbm.at[1, wid, 1], dst_v.at[1], sem_id.at[1])
    pltpu.async_copy(hin_hbm.at[src_v.at[0]], rows_v.at[0], sem_g.at[0])
    plsc.subcore_barrier()

    def body(j, carry):
        slot = lax.rem(j, 2)
        nslot = lax.rem(j + 1, 2)
        d_slot = lax.rem(j, 3)

        @pl.when(j < CHUNKS - 1)
        def _():
            @pl.when(j >= 1)
            def _():
                pltpu.make_async_copy(rows_v.at[nslot],
                                      agg_sh.at[dst_v.at[lax.rem(j - 1, 3)]],
                                      sem_s.at[nslot]).wait()

            pltpu.make_async_copy(eidx_hbm.at[0, wid, j + 1],
                                  src_v.at[nslot], sem_is.at[nslot]).wait()
            pltpu.async_copy(hin_hbm.at[src_v.at[nslot]], rows_v.at[nslot],
                             sem_g.at[nslot])

        pltpu.make_async_copy(hin_hbm.at[src_v.at[slot]], rows_v.at[slot],
                              sem_g.at[slot]).wait()

        @pl.when(j >= 1)
        def _():
            pltpu.make_async_copy(eidx_hbm.at[1, wid, j], dst_v.at[d_slot],
                                  sem_id.at[d_slot]).wait()

        pltpu.async_copy(rows_v.at[slot], agg_sh.at[dst_v.at[d_slot]],
                         sem_s.at[slot], add=True)

        @pl.when(j < CHUNKS - 2)
        def _():
            pltpu.async_copy(eidx_hbm.at[0, wid, j + 2], src_v.at[slot],
                             sem_is.at[slot])
            pltpu.async_copy(eidx_hbm.at[1, wid, j + 2],
                             dst_v.at[lax.rem(j + 2, 3)],
                             sem_id.at[lax.rem(j + 2, 3)])

        return carry

    lax.fori_loop(0, CHUNKS, body, 0)
    pltpu.make_async_copy(rows_v.at[0], agg_sh.at[dst_v.at[0]],
                          sem_s.at[0]).wait()
    pltpu.make_async_copy(rows_v.at[1], agg_sh.at[dst_v.at[1]],
                          sem_s.at[1]).wait()
    plsc.subcore_barrier()
    pltpu.sync_copy(agg_sh.at[pl.ds(sid * RPT, RPT)],
                    out_hbm.at[cid, pl.ds(sid * RPT, RPT)])


@functools.cache
def _sc_agg():
    return pl.kernel(
        _sc_agg_body,
        out_type=jax.ShapeDtypeStruct((NCORE, N_PAD, D), jnp.float32),
        mesh=plsc.VectorSubcoreMesh(core_axis_name="c", subcore_axis_name="s",
                                    num_cores=NCORE, num_subcores=NSUB),
        scratch_types=[
            pltpu.VMEM((2, CH), jnp.int32),
            pltpu.VMEM((3, CH), jnp.int32),
            pltpu.VMEM((2, CH, D), jnp.float32),
            pltpu.VMEM_SHARED((N_PAD, D), jnp.float32),
            pltpu.SemaphoreType.DMA((2,)),
            pltpu.SemaphoreType.DMA((3,)),
            pltpu.SemaphoreType.DMA((2,)),
            pltpu.SemaphoreType.DMA((2,)),
        ],
    )


def _tc_body(p_ref, w_ref, b_ref, bid_ref, vn_ref, wlin_ref,
             blin_ref, gam_ref, bet_ref, w1_ref, b1_ref, g1_ref, be1_ref,
             w2_ref, b2_ref, g2_ref, be2_ref,
             h_ref, t_ref,
             zs_ref, cs_ref, cq_ref, seg_ref, cnt_ref, scale_ref, shift_ref):
    g = pl.program_id(0)
    p = g // NB
    i = lax.rem(g, NB)

    @pl.when(p == 0)
    def _():
        z = (jnp.dot(p_ref[0], w_ref[...], preferred_element_type=jnp.float32)
             + jnp.dot(p_ref[1], w_ref[...], preferred_element_type=jnp.float32)
             + b_ref[...])
        zs_ref[i] = z
        bid = bid_ref[0]
        ohT = (lax.broadcasted_iota(jnp.int32, (B, R), 0) == bid)
        ohT = ohT.astype(jnp.float32)
        seg = jnp.dot(ohT, z, preferred_element_type=jnp.float32)
        cnt = jnp.sum(ohT, axis=1, keepdims=True) * jnp.ones((1, D),
                                                             jnp.float32)
        cs = jnp.sum(z, axis=0, keepdims=True)
        cq = jnp.sum(z * z, axis=0, keepdims=True)

        @pl.when(i == 0)
        def _():
            cs_ref[...] = cs
            cq_ref[...] = cq
            seg_ref[...] = seg
            cnt_ref[...] = cnt

        @pl.when(i != 0)
        def _():
            cs_ref[...] += cs
            cq_ref[...] += cq
            seg_ref[...] += seg
            cnt_ref[...] += cnt

    @pl.when(jnp.logical_and(p == 1, i == 0))
    def _():
        m = cs_ref[...] * (1.0 / N)
        v = cq_ref[...] * (1.0 / N) - m * m
        inv = lax.rsqrt(v + 1e-5)
        scale = inv * gam_ref[...]
        shift = bet_ref[...] - m * scale
        scale_ref[...] = scale
        shift_ref[...] = shift
        cnt = cnt_ref[:, 0:1]
        pooled = seg_ref[...] * scale + cnt * shift
        vn_lin = jnp.dot(vn_ref[...], wlin_ref[...],
                         preferred_element_type=jnp.float32) + blin_ref[...]
        pooled = pooled + vn_lin
        t = jnp.dot(pooled, w1_ref[...],
                    preferred_element_type=jnp.float32) + b1_ref[...]
        mt = jnp.mean(t, axis=0, keepdims=True)
        vt = jnp.mean((t - mt) * (t - mt), axis=0, keepdims=True)
        t = (t - mt) * lax.rsqrt(vt + 1e-5) * g1_ref[...] + be1_ref[...]
        t = jnp.maximum(t, 0.0)
        t = jnp.dot(t, w2_ref[...],
                    preferred_element_type=jnp.float32) + b2_ref[...]
        mt = jnp.mean(t, axis=0, keepdims=True)
        vt = jnp.mean((t - mt) * (t - mt), axis=0, keepdims=True)
        t = (t - mt) * lax.rsqrt(vt + 1e-5) * g2_ref[...] + be2_ref[...]
        t_ref[...] = jnp.maximum(t, 0.0)

    @pl.when(p == 1)
    def _():
        h_ref[...] = zs_ref[i] * scale_ref[...] + shift_ref[...]


def kernel(x, edge_index, batch_id, vn_table, Wconv, bconv, bn_gamma, bn_beta,
           Wlin, blin, W1, b1, g1, be1, W2, b2, g2, be2):
    eidx = edge_index.astype(jnp.int32).reshape(2, NT, CHUNKS, CH)
    bid = batch_id.astype(jnp.int32).reshape(NB, 1, R)
    zero = jnp.zeros((120, D), jnp.float32)
    row = lambda v: v.reshape(1, D)

    hin = pl.pallas_call(
        _vn_add_body,
        grid=(NB,),
        in_specs=[pl.BlockSpec((R, D), lambda i: (i, 0)),
                  pl.BlockSpec((1, D), lambda i: (0, 0))],
        out_specs=pl.BlockSpec((R, D), lambda i: (i, 0)),
        out_shape=jax.ShapeDtypeStruct((N, D), jnp.float32),
    )(x, vn_table)

    partials = _sc_agg()(hin, eidx, zero)

    h, t = pl.pallas_call(
        _tc_body,
        grid=(2 * NB,),
        in_specs=[pl.BlockSpec((NCORE, R, D),
                               lambda g: (0, jnp.minimum(g, NB - 1), 0)),
                  pl.BlockSpec((D, D), lambda g: (0, 0)),
                  pl.BlockSpec((1, D), lambda g: (0, 0)),
                  pl.BlockSpec((1, 1, R),
                               lambda g: (jnp.minimum(g, NB - 1), 0, 0)),
                  pl.BlockSpec((1, D), lambda g: (0, 0)),
                  pl.BlockSpec((D, D), lambda g: (0, 0)),
                  pl.BlockSpec((1, D), lambda g: (0, 0)),
                  pl.BlockSpec((1, D), lambda g: (0, 0)),
                  pl.BlockSpec((1, D), lambda g: (0, 0)),
                  pl.BlockSpec((D, D), lambda g: (0, 0)),
                  pl.BlockSpec((1, D), lambda g: (0, 0)),
                  pl.BlockSpec((1, D), lambda g: (0, 0)),
                  pl.BlockSpec((1, D), lambda g: (0, 0)),
                  pl.BlockSpec((D, D), lambda g: (0, 0)),
                  pl.BlockSpec((1, D), lambda g: (0, 0)),
                  pl.BlockSpec((1, D), lambda g: (0, 0)),
                  pl.BlockSpec((1, D), lambda g: (0, 0))],
        out_specs=[pl.BlockSpec((R, D),
                                lambda g: (jnp.maximum(g - NB, 0), 0)),
                   pl.BlockSpec((B, D), lambda g: (0, 0))],
        out_shape=[jax.ShapeDtypeStruct((N, D), jnp.float32),
                   jax.ShapeDtypeStruct((B, D), jnp.float32)],
        scratch_shapes=[pltpu.VMEM((NB, R, D), jnp.float32),
                        pltpu.VMEM((1, D), jnp.float32),
                        pltpu.VMEM((1, D), jnp.float32),
                        pltpu.VMEM((B, D), jnp.float32),
                        pltpu.VMEM((B, D), jnp.float32),
                        pltpu.VMEM((1, D), jnp.float32),
                        pltpu.VMEM((1, D), jnp.float32)],
    )(partials, Wconv, row(bconv), bid, vn_table, Wlin, row(blin),
      row(bn_gamma), row(bn_beta), W1, row(b1), row(g1), row(be1), W2,
      row(b2), row(g2), row(be2))
    return h, t

# --- scband reference (transcript-rebuilt; emitter-appended) ---
"""Pipeline reference for scband-virtual-node-51805895524920 (READ-ONLY COPY).

The authoritative reference and input builder live on the scoring server;
editing this copy changes nothing except your own understanding.
"""

import jax, jax.numpy as jnp
import numpy as np

N = 10000
E = 320000
D_IN = 128
D_OUT = 128
B = 16

def setup_inputs(seed: int = 0) -> dict:
    key = jax.random.key(seed)
    ks = jax.random.split(key, 20)
    x = jax.random.normal(ks[0], (N, D_IN), dtype=jnp.float32)
    edge_index = jax.random.randint(ks[1], (2, E), 0, N, dtype=jnp.int64)
    batch_id = jnp.sort(jax.random.randint(ks[2], (N,), 0, B, dtype=jnp.int64))
    s_in = 1.0 / np.sqrt(D_IN)
    s_out = 1.0 / np.sqrt(D_OUT)
    vn_table = jax.random.normal(ks[3], (1, D_IN), dtype=jnp.float32) * 0.02
    Wconv = jax.random.uniform(ks[4], (D_IN, D_OUT), jnp.float32, -s_in, s_in)
    bconv = jax.random.uniform(ks[5], (D_OUT,), jnp.float32, -s_in, s_in)
    bn_gamma = jnp.ones((D_OUT,), jnp.float32)
    bn_beta = jnp.zeros((D_OUT,), jnp.float32)
    Wlin = jax.random.uniform(ks[6], (D_IN, D_OUT), jnp.float32, -s_in, s_in)
    blin = jax.random.uniform(ks[7], (D_OUT,), jnp.float32, -s_in, s_in)
    W1 = jax.random.uniform(ks[8], (D_OUT, D_OUT), jnp.float32, -s_out, s_out)
    b1 = jax.random.uniform(ks[9], (D_OUT,), jnp.float32, -s_out, s_out)
    g1 = jnp.ones((D_OUT,), jnp.float32)
    be1 = jnp.zeros((D_OUT,), jnp.float32)
    W2 = jax.random.uniform(ks[10], (D_OUT, D_OUT), jnp.float32, -s_out, s_out)
    b2 = jax.random.uniform(ks[11], (D_OUT,), jnp.float32, -s_out, s_out)
    g2 = jnp.ones((D_OUT,), jnp.float32)
    be2 = jnp.zeros((D_OUT,), jnp.float32)
    return {"x": x, "edge_index": edge_index, "batch_id": batch_id,
            "vn_table": vn_table, "Wconv": Wconv, "bconv": bconv,
            "bn_gamma": bn_gamma, "bn_beta": bn_beta, "Wlin": Wlin, "blin": blin,
            "W1": W1, "b1": b1, "g1": g1, "be1": be1,
            "W2": W2, "b2": b2, "g2": g2, "be2": be2}

def _bn(z, gamma, beta):
    m = jnp.mean(z, axis=0)
    v = jnp.var(z, axis=0)
    return (z - m) / jnp.sqrt(v + 1e-5) * gamma + beta

def reference(x, edge_index, batch_id, vn_table, Wconv, bconv, bn_gamma, bn_beta,
              Wlin, blin, W1, b1, g1, be1, W2, b2, g2, be2):
    # virtualnode_embedding = Embedding(zeros(batch_size)) -> [B, D_IN]
    vn_emb = jnp.take(vn_table, jnp.zeros((B,), dtype=jnp.int32), axis=0)
    # broadcast virtual node embedding to every node in its graph
    h = x + vn_emb[batch_id]
    # conv: GraphConv-style sum aggregation over edges, then linear
    src = edge_index[0]
    dst = edge_index[1]
    agg = jax.ops.segment_sum(h[src], dst, num_segments=N)
    h = agg @ Wconv + bconv
    # batch norm (train-mode statistics); dropout p=0.0 -> identity
    h = _bn(h, bn_gamma, bn_beta)
    # virtual node update
    vn_lin = vn_emb @ Wlin + blin
    pooled = jax.ops.segment_sum(h, batch_id, num_segments=B) + vn_lin
    t = pooled @ W1 + b1
    t = jax.nn.relu(_bn(t, g1, be1))
    t = t @ W2 + b2
    t = jax.nn.relu(_bn(t, g2, be2))
    return (h, t)

if __name__ == "__main__":
    import jax
    _d = setup_inputs()
    print(jax.jit(kernel)(*tuple(_d.values())))

</pallas_src>

<mosaic_0001>
#map = affine_map<(d0, d1) -> (0, 0)>
#map1 = affine_map<(d0, d1) -> (0, 0, 0, 0)>
#map2 = affine_map<(d0, d1) -> (0, 0, 0)>
module attributes {stable_mosaic.version = 14 : i64} {
  func.func @_sc_agg_body(%arg0: i32, %arg1: i32, %arg2: memref<10000x128xf32, #tpu.memory_space<hbm>>, %arg3: memref<2x32x80x125xi32, #tpu.memory_space<hbm>>, %arg4: memref<120x128xf32, #tpu.memory_space<hbm>>, %arg5: memref<2x10240x128xf32, #tpu.memory_space<hbm>>, %arg6: memref<2x125xi32, #tpu.memory_space<vmem>>, %arg7: memref<3x125xi32, #tpu.memory_space<vmem>>, %arg8: memref<2x125x128xf32, #tpu.memory_space<vmem>>, %arg9: memref<10240x128xf32, #tpu.memory_space<vmem_shared>>, %arg10: memref<2x!tpu.dma_semaphore, #tpu.memory_space<semaphore_mem>>, %arg11: memref<3x!tpu.dma_semaphore, #tpu.memory_space<semaphore_mem>>, %arg12: memref<2x!tpu.dma_semaphore, #tpu.memory_space<semaphore_mem>>, %arg13: memref<2x!tpu.dma_semaphore, #tpu.memory_space<semaphore_mem>>) attributes {dimension_semantics = [#tpu.dimension_semantics<core_parallel>, #tpu.dimension_semantics<subcore_parallel>], iteration_bounds = array<i64: 2, 16>, scalar_prefetch = 0 : i64, scratch_operands = 8 : i64, tpu.core_type = #tpu.core_type<sc_vector_subcore>, window_params = [{transform_indices = #map}, {transform_indices = #map1}, {transform_indices = #map}, {transform_indices = #map2}]} {
    %mul3A = arith.constant 16 : i32
    %mul3A_0 = arith.muli %arg0, %mul3A : i32
    %add3A = arith.addi %mul3A_0, %arg1 : i32
    %run_scoped3A = arith.constant 0 : i32
    "tpu.region"() ({
      %run_scoped3A_126 = tpu.sem_alloc : memref<!tpu.dma_semaphore, #tpu.memory_space<semaphore_mem>>
      %dma_start3A_127 = arith.constant 0 : i32
      %dma_start3A_128 = arith.constant 0 : i32
      %dma_start3A_129 = tpu.memref_slice %arg8[%run_scoped3A, %dma_start3A_127, %dma_start3A_128] : memref<2x125x128xf32, #tpu.memory_space<vmem>> -> memref<1x120x128xf32, #tpu.memory_space<vmem>>
      %dma_start3A_130 = tpu.memref_squeeze %dma_start3A_129 : memref<1x120x128xf32, #tpu.memory_space<vmem>> -> memref<120x128xf32, #tpu.memory_space<vmem>>
      %dma_start3A_131 = arith.constant 0 : i32
      %dma_start3A_132 = arith.constant 0 : i32
      %dma_start3A_133 = tpu.memref_slice %arg8[%run_scoped3A, %dma_start3A_131, %dma_start3A_132] : memref<2x125x128xf32, #tpu.memory_space<vmem>> -> memref<1x120x128xf32, #tpu.memory_space<vmem>>
      %dma_start3A_134 = tpu.memref_squeeze %dma_start3A_133 : memref<1x120x128xf32, #tpu.memory_space<vmem>> -> memref<120x128xf32, #tpu.memory_space<vmem>>
      tpu.enqueue_dma source(%arg4 : memref<120x128xf32, #tpu.memory_space<hbm>>) target(%dma_start3A_134 : memref<120x128xf32, #tpu.memory_space<vmem>>) target_semaphore(%run_scoped3A_126 : memref<!tpu.dma_semaphore, #tpu.memory_space<semaphore_mem>>)
      %dma_wait3A_135 = arith.constant 0 : i32
      %dma_wait3A_136 = arith.constant 0 : i32
      %dma_wait3A_137 = tpu.memref_slice %arg8[%run_scoped3A, %dma_wait3A_135, %dma_wait3A_136] : memref<2x125x128xf32, #tpu.memory_space<vmem>> -> memref<1x120x128xf32, #tpu.memory_space<vmem>>
      %dma_wait3A_138 = tpu.memref_squeeze %dma_wait3A_137 : memref<1x120x128xf32, #tpu.memory_space<vmem>> -> memref<120x128xf32, #tpu.memory_space<vmem>>
      %dma_wait3A_139 = arith.constant 0 : i32
      %dma_wait3A_140 = arith.constant 0 : i32
      %dma_wait3A_141 = tpu.memref_slice %arg8[%run_scoped3A, %dma_wait3A_139, %dma_wait3A_140] : memref<2x125x128xf32, #tpu.memory_space<vmem>> -> memref<1x120x128xf32, #tpu.memory_space<vmem>>
      %dma_wait3A_142 = tpu.memref_squeeze %dma_wait3A_141 : memref<1x120x128xf32, #tpu.memory_space<vmem>> -> memref<120x128xf32, #tpu.memory_space<vmem>>
      tpu.wait_dma2 semaphore(%run_scoped3A_126 : memref<!tpu.dma_semaphore, #tpu.memory_space<semaphore_mem>>) src(%arg4 : memref<120x128xf32, #tpu.memory_space<hbm>>) dst(%dma_wait3A_142 : memref<120x128xf32, #tpu.memory_space<vmem>>)
      tpu.yield
    }) : () -> ()
    %mul3A_1 = arith.constant 640 : i32
    %mul3A_2 = arith.muli %arg1, %mul3A_1 : i32
    %add3A_3 = arith.constant 0 : i32
    %add3A_4 = arith.addi %mul3A_2, %add3A_3 : i32
    %run_scoped3A_5 = arith.constant 0 : i32
    "tpu.region"() ({
      %run_scoped3A_126 = tpu.sem_alloc : memref<!tpu.dma_semaphore, #tpu.memory_space<semaphore_mem>>
      %dma_start3A_127 = arith.constant 0 : i32
      %dma_start3A_128 = arith.constant 0 : i32
      %dma_start3A_129 = tpu.memref_slice %arg8[%run_scoped3A_5, %dma_start3A_127, %dma_start3A_128] : memref<2x125x128xf32, #tpu.memory_space<vmem>> -> memref<1x120x128xf32, #tpu.memory_space<vmem>>
      %dma_start3A_130 = tpu.memref_squeeze %dma_start3A_129 : memref<1x120x128xf32, #tpu.memory_space<vmem>> -> memref<120x128xf32, #tpu.memory_space<vmem>>
      %dma_start3A_131 = arith.constant 0 : i32
      %dma_start3A_132 = tpu.memref_slice %arg9[%add3A_4, %dma_start3A_131] : memref<10240x128xf32, #tpu.memory_space<vmem_shared>> -> memref<120x128xf32, #tpu.memory_space<vmem_shared>>
      %dma_start3A_133 = arith.constant 0 : i32
      %dma_start3A_134 = tpu.memref_slice %arg9[%add3A_4, %dma_start3A_133] : memref<10240x128xf32, #tpu.memory_space<vmem_shared>> -> memref<120x128xf32, #tpu.memory_space<vmem_shared>>
      %dma_start3A_135 = arith.constant 0 : i32
      %dma_start3A_136 = arith.constant 0 : i32
      %dma_start3A_137 = tpu.memref_slice %arg8[%run_scoped3A_5, %dma_start3A_135, %dma_start3A_136] : memref<2x125x128xf32, #tpu.memory_space<vmem>> -> memref<1x120x128xf32, #tpu.memory_space<vmem>>
      %dma_start3A_138 = tpu.memref_squeeze %dma_start3A_137 : memref<1x120x128xf32, #tpu.memory_space<vmem>> -> memref<120x128xf32, #tpu.memory_space<vmem>>
      tpu.enqueue_dma source(%dma_start3A_138 : memref<120x128xf32, #tpu.memory_space<vmem>>) target(%dma_start3A_134 : memref<120x128xf32, #tpu.memory_space<vmem_shared>>) target_semaphore(%run_scoped3A_126 : memref<!tpu.dma_semaphore, #tpu.memory_space<semaphore_mem>>)
      %dma_wait3A_139 = arith.constant 0 : i32
      %dma_wait3A_140 = arith.constant 0 : i32
      %dma_wait3A_141 = tpu.memref_slice %arg8[%run_scoped3A_5, %dma_wait3A_139, %dma_wait3A_140] : memref<2x125x128xf32, #tpu.memory_space<vmem>> -> memref<1x120x128xf32, #tpu.memory_space<vmem>>
      %dma_wait3A_142 = tpu.memref_squeeze %dma_wait3A_141 : memref<1x120x128xf32, #tpu.memory_space<vmem>> -> memref<120x128xf32, #tpu.memory_space<vmem>>
      %dma_wait3A_143 = arith.constant 0 : i32
      %dma_wait3A_144 = tpu.memref_slice %arg9[%add3A_4, %dma_wait3A_143] : memref<10240x128xf32, #tpu.memory_space<vmem_shared>> -> memref<120x128xf32, #tpu.memory_space<vmem_shared>>
      %dma_wait3A_145 = arith.constant 0 : i32
      %dma_wait3A_146 = tpu.memref_slice %arg9[%add3A_4, %dma_wait3A_145] : memref<10240x128xf32, #tpu.memory_space<vmem_shared>> -> memref<120x128xf32, #tpu.memory_space<vmem_shared>>
      %dma_wait3A_147 = arith.constant 0 : i32
      %dma_wait3A_148 = arith.constant 0 : i32
      %dma_wait3A_149 = tpu.memref_slice %arg8[%run_scoped3A_5, %dma_wait3A_147, %dma_wait3A_148] : memref<2x125x128xf32, #tpu.memory_space<vmem>> -> memref<1x120x128xf32, #tpu.memory_space<vmem>>
      %dma_wait3A_150 = tpu.memref_squeeze %dma_wait3A_149 : memref<1x120x128xf32, #tpu.memory_space<vmem>> -> memref<120x128xf32, #tpu.memory_space<vmem>>
      tpu.wait_dma2 semaphore(%run_scoped3A_126 : memref<!tpu.dma_semaphore, #tpu.memory_space<semaphore_mem>>) src(%dma_wait3A_150 : memref<120x128xf32, #tpu.memory_space<vmem>>) dst(%dma_wait3A_146 : memref<120x128xf32, #tpu.memory_space<vmem_shared>>)
      tpu.yield
    }) : () -> ()
    %mul3A_6 = arith.constant 640 : i32
    %mul3A_7 = arith.muli %arg1, %mul3A_6 : i32
    %add3A_8 = arith.constant 120 : i32
    %add3A_9 = arith.addi %mul3A_7, %add3A_8 : i32
    %run_scoped3A_10 = arith.constant 0 : i32
    "tpu.region"() ({
      %run_scoped3A_126 = tpu.sem_alloc : memref<!tpu.dma_semaphore, #tpu.memory_space<semaphore_mem>>
      %dma_start3A_127 = arith.constant 0 : i32
      %dma_start3A_128 = arith.constant 0 : i32
      %dma_start3A_129 = tpu.memref_slice %arg8[%run_scoped3A_10, %dma_start3A_127, %dma_start3A_128] : memref<2x125x128xf32, #tpu.memory_space<vmem>> -> memref<1x120x128xf32, #tpu.memory_space<vmem>>
      %dma_start3A_130 = tpu.memref_squeeze %dma_start3A_129 : memref<1x120x128xf32, #tpu.memory_space<vmem>> -> memref<120x128xf32, #tpu.memory_space<vmem>>
      %dma_start3A_131 = arith.constant 0 : i32
      %dma_start3A_132 = tpu.memref_slice %arg9[%add3A_9, %dma_start3A_131] : memref<10240x128xf32, #tpu.memory_space<vmem_shared>> -> memref<120x128xf32, #tpu.memory_space<vmem_shared>>
      %dma_start3A_133 = arith.constant 0 : i32
      %dma_start3A_134 = tpu.memref_slice %arg9[%add3A_9, %dma_start3A_133] : memref<10240x128xf32, #tpu.memory_space<vmem_shared>> -> memref<120x128xf32, #tpu.memory_space<vmem_shared>>
      %dma_start3A_135 = arith.constant 0 : i32
      %dma_start3A_136 = arith.constant 0 : i32
      %dma_start3A_137 = tpu.memref_slice %arg8[%run_scoped3A_10, %dma_start3A_135, %dma_start3A_136] : memref<2x125x128xf32, #tpu.memory_space<vmem>> -> memref<1x120x128xf32, #tpu.memory_space<vmem>>
      %dma_start3A_138 = tpu.memref_squeeze %dma_start3A_137 : memref<1x120x128xf32, #tpu.memory_space<vmem>> -> memref<120x128xf32, #tpu.memory_space<vmem>>
      tpu.enqueue_dma source(%dma_start3A_138 : memref<120x128xf32, #tpu.memory_space<vmem>>) target(%dma_start3A_134 : memref<120x128xf32, #tpu.memory_space<vmem_shared>>) target_semaphore(%run_scoped3A_126 : memref<!tpu.dma_semaphore, #tpu.memory_space<semaphore_mem>>)
      %dma_wait3A_139 = arith.constant 0 : i32
      %dma_wait3A_140 = arith.constant 0 : i32
      %dma_wait3A_141 = tpu.memref_slice %arg8[%run_scoped3A_10, %dma_wait3A_139, %dma_wait3A_140] : memref<2x125x128xf32, #tpu.memory_space<vmem>> -> memref<1x120x128xf32, #tpu.memory_space<vmem>>
      %dma_wait3A_142 = tpu.memref_squeeze %dma_wait3A_141 : memref<1x120x128xf32, #tpu.memory_space<vmem>> -> memref<120x128xf32, #tpu.memory_space<vmem>>
      %dma_wait3A_143 = arith.constant 0 : i32
      %dma_wait3A_144 = tpu.memref_slice %arg9[%add3A_9, %dma_wait3A_143] : memref<10240x128xf32, #tpu.memory_space<vmem_shared>> -> memref<120x128xf32, #tpu.memory_space<vmem_shared>>
      %dma_wait3A_145 = arith.constant 0 : i32
      %dma_wait3A_146 = tpu.memref_slice %arg9[%add3A_9, %dma_wait3A_145] : memref<10240x128xf32, #tpu.memory_space<vmem_shared>> -> memref<120x128xf32, #tpu.memory_space<vmem_shared>>
      %dma_wait3A_147 = arith.constant 0 : i32
      %dma_wait3A_148 = arith.constant 0 : i32
      %dma_wait3A_149 = tpu.memref_slice %arg8[%run_scoped3A_10, %dma_wait3A_147, %dma_wait3A_148] : memref<2x125x128xf32, #tpu.memory_space<vmem>> -> memref<1x120x128xf32, #tpu.memory_space<vmem>>
      %dma_wait3A_150 = tpu.memref_squeeze %dma_wait3A_149 : memref<1x120x128xf32, #tpu.memory_space<vmem>> -> memref<120x128xf32, #tpu.memory_space<vmem>>
      tpu.wait_dma2 semaphore(%run_scoped3A_126 : memref<!tpu.dma_semaphore, #tpu.memory_space<semaphore_mem>>) src(%dma_wait3A_150 : memref<120x128xf32, #tpu.memory_space<vmem>>) dst(%dma_wait3A_146 : memref<120x128xf32, #tpu.memory_space<vmem_shared>>)
      tpu.yield
    }) : () -> ()
    %mul3A_11 = arith.constant 640 : i32
    %mul3A_12 = arith.muli %arg1, %mul3A_11 : i32
    %add3A_13 = arith.constant 240 : i32
    %add3A_14 = arith.addi %mul3A_12, %add3A_13 : i32
    %run_scoped3A_15 = arith.constant 0 : i32
    "tpu.region"() ({
      %run_scoped3A_126 = tpu.sem_alloc : memref<!tpu.dma_semaphore, #tpu.memory_space<semaphore_mem>>
      %dma_start3A_127 = arith.constant 0 : i32
      %dma_start3A_128 = arith.constant 0 : i32
      %dma_start3A_129 = tpu.memref_slice %arg8[%run_scoped3A_15, %dma_start3A_127, %dma_start3A_128] : memref<2x125x128xf32, #tpu.memory_space<vmem>> -> memref<1x120x128xf32, #tpu.memory_space<vmem>>
      %dma_start3A_130 = tpu.memref_squeeze %dma_start3A_129 : memref<1x120x128xf32, #tpu.memory_space<vmem>> -> memref<120x128xf32, #tpu.memory_space<vmem>>
      %dma_start3A_131 = arith.constant 0 : i32
      %dma_start3A_132 = tpu.memref_slice %arg9[%add3A_14, %dma_start3A_131] : memref<10240x128xf32, #tpu.memory_space<vmem_shared>> -> memref<120x128xf32, #tpu.memory_space<vmem_shared>>
      %dma_start3A_133 = arith.constant 0 : i32
      %dma_start3A_134 = tpu.memref_slice %arg9[%add3A_14, %dma_start3A_133] : memref<10240x128xf32, #tpu.memory_space<vmem_shared>> -> memref<120x128xf32, #tpu.memory_space<vmem_shared>>
      %dma_start3A_135 = arith.constant 0 : i32
      %dma_start3A_136 = arith.constant 0 : i32
      %dma_start3A_137 = tpu.memref_slice %arg8[%run_scoped3A_15, %dma_start3A_135, %dma_start3A_136] : memref<2x125x128xf32, #tpu.memory_space<vmem>> -> memref<1x120x128xf32, #tpu.memory_space<vmem>>
      %dma_start3A_138 = tpu.memref_squeeze %dma_start3A_137 : memref<1x120x128xf32, #tpu.memory_space<vmem>> -> memref<120x128xf32, #tpu.memory_space<vmem>>
      tpu.enqueue_dma source(%dma_start3A_138 : memref<120x128xf32, #tpu.memory_space<vmem>>) target(%dma_start3A_134 : memref<120x128xf32, #tpu.memory_space<vmem_shared>>) target_semaphore(%run_scoped3A_126 : memref<!tpu.dma_semaphore, #tpu.memory_space<semaphore_mem>>)
      %dma_wait3A_139 = arith.constant 0 : i32
      %dma_wait3A_140 = arith.constant 0 : i32
      %dma_wait3A_141 = tpu.memref_slice %arg8[%run_scoped3A_15, %dma_wait3A_139, %dma_wait3A_140] : memref<2x125x128xf32, #tpu.memory_space<vmem>> -> memref<1x120x128xf32, #tpu.memory_space<vmem>>
      %dma_wait3A_142 = tpu.memref_squeeze %dma_wait3A_141 : memref<1x120x128xf32, #tpu.memory_space<vmem>> -> memref<120x128xf32, #tpu.memory_space<vmem>>
      %dma_wait3A_143 = arith.constant 0 : i32
      %dma_wait3A_144 = tpu.memref_slice %arg9[%add3A_14, %dma_wait3A_143] : memref<10240x128xf32, #tpu.memory_space<vmem_shared>> -> memref<120x128xf32, #tpu.memory_space<vmem_shared>>
      %dma_wait3A_145 = arith.constant 0 : i32
      %dma_wait3A_146 = tpu.memref_slice %arg9[%add3A_14, %dma_wait3A_145] : memref<10240x128xf32, #tpu.memory_space<vmem_shared>> -> memref<120x128xf32, #tpu.memory_space<vmem_shared>>
      %dma_wait3A_147 = arith.constant 0 : i32
      %dma_wait3A_148 = arith.constant 0 : i32
      %dma_wait3A_149 = tpu.memref_slice %arg8[%run_scoped3A_15, %dma_wait3A_147, %dma_wait3A_148] : memref<2x125x128xf32, #tpu.memory_space<vmem>> -> memref<1x120x128xf32, #tpu.memory_space<vmem>>
      %dma_wait3A_150 = tpu.memref_squeeze %dma_wait3A_149 : memref<1x120x128xf32, #tpu.memory_space<vmem>> -> memref<120x128xf32, #tpu.memory_space<vmem>>
      tpu.wait_dma2 semaphore(%run_scoped3A_126 : memref<!tpu.dma_semaphore, #tpu.memory_space<semaphore_mem>>) src(%dma_wait3A_150 : memref<120x128xf32, #tpu.memory_space<vmem>>) dst(%dma_wait3A_146 : memref<120x128xf32, #tpu.memory_space<vmem_shared>>)
      tpu.yield
    }) : () -> ()
    %mul3A_16 = arith.constant 640 : i32
    %mul3A_17 = arith.muli %arg1, %mul3A_16 : i32
    %add3A_18 = arith.constant 360 : i32
    %add3A_19 = arith.addi %mul3A_17, %add3A_18 : i32
    %run_scoped3A_20 = arith.constant 0 : i32
    "tpu.region"() ({
      %run_scoped3A_126 = tpu.sem_alloc : memref<!tpu.dma_semaphore, #tpu.memory_space<semaphore_mem>>
      %dma_start3A_127 = arith.constant 0 : i32
      %dma_start3A_128 = arith.constant 0 : i32
      %dma_start3A_129 = tpu.memref_slice %arg8[%run_scoped3A_20, %dma_start3A_127, %dma_start3A_128] : memref<2x125x128xf32, #tpu.memory_space<vmem>> -> memref<1x120x128xf32, #tpu.memory_space<vmem>>
      %dma_start3A_130 = tpu.memref_squeeze %dma_start3A_129 : memref<1x120x128xf32, #tpu.memory_space<vmem>> -> memref<120x128xf32, #tpu.memory_space<vmem>>
      %dma_start3A_131 = arith.constant 0 : i32
      %dma_start3A_132 = tpu.memref_slice %arg9[%add3A_19, %dma_start3A_131] : memref<10240x128xf32, #tpu.memory_space<vmem_shared>> -> memref<120x128xf32, #tpu.memory_space<vmem_shared>>
      %dma_start3A_133 = arith.constant 0 : i32
      %dma_start3A_134 = tpu.memref_slice %arg9[%add3A_19, %dma_start3A_133] : memref<10240x128xf32, #tpu.memory_space<vmem_shared>> -> memref<120x128xf32, #tpu.memory_space<vmem_shared>>
      %dma_start3A_135 = arith.constant 0 : i32
      %dma_start3A_136 = arith.constant 0 : i32
      %dma_start3A_137 = tpu.memref_slice %arg8[%run_scoped3A_20, %dma_start3A_135, %dma_start3A_136] : memref<2x125x128xf32, #tpu.memory_space<vmem>> -> memref<1x120x128xf32, #tpu.memory_space<vmem>>
      %dma_start3A_138 = tpu.memref_squeeze %dma_start3A_137 : memref<1x120x128xf32, #tpu.memory_space<vmem>> -> memref<120x128xf32, #tpu.memory_space<vmem>>
      tpu.enqueue_dma source(%dma_start3A_138 : memref<120x128xf32, #tpu.memory_space<vmem>>) target(%dma_start3A_134 : memref<120x128xf32, #tpu.memory_space<vmem_shared>>) target_semaphore(%run_scoped3A_126 : memref<!tpu.dma_semaphore, #tpu.memory_space<semaphore_mem>>)
      %dma_wait3A_139 = arith.constant 0 : i32
      %dma_wait3A_140 = arith.constant 0 : i32
      %dma_wait3A_141 = tpu.memref_slice %arg8[%run_scoped3A_20, %dma_wait3A_139, %dma_wait3A_140] : memref<2x125x128xf32, #tpu.memory_space<vmem>> -> memref<1x120x128xf32, #tpu.memory_space<vmem>>
      %dma_wait3A_142 = tpu.memref_squeeze %dma_wait3A_141 : memref<1x120x128xf32, #tpu.memory_space<vmem>> -> memref<120x128xf32, #tpu.memory_space<vmem>>
      %dma_wait3A_143 = arith.constant 0 : i32
      %dma_wait3A_144 = tpu.memref_slice %arg9[%add3A_19, %dma_wait3A_143] : memref<10240x128xf32, #tpu.memory_space<vmem_shared>> -> memref<120x128xf32, #tpu.memory_space<vmem_shared>>
      %dma_wait3A_145 = arith.constant 0 : i32
      %dma_wait3A_146 = tpu.memref_slice %arg9[%add3A_19, %dma_wait3A_145] : memref<10240x128xf32, #tpu.memory_space<vmem_shared>> -> memref<120x128xf32, #tpu.memory_space<vmem_shared>>
      %dma_wait3A_147 = arith.constant 0 : i32
      %dma_wait3A_148 = arith.constant 0 : i32
      %dma_wait3A_149 = tpu.memref_slice %arg8[%run_scoped3A_20, %dma_wait3A_147, %dma_wait3A_148] : memref<2x125x128xf32, #tpu.memory_space<vmem>> -> memref<1x120x128xf32, #tpu.memory_space<vmem>>
      %dma_wait3A_150 = tpu.memref_squeeze %dma_wait3A_149 : memref<1x120x128xf32, #tpu.memory_space<vmem>> -> memref<120x128xf32, #tpu.memory_space<vmem>>
      tpu.wait_dma2 semaphore(%run_scoped3A_126 : memref<!tpu.dma_semaphore, #tpu.memory_space<semaphore_mem>>) src(%dma_wait3A_150 : memref<120x128xf32, #tpu.memory_space<vmem>>) dst(%dma_wait3A_146 : memref<120x128xf32, #tpu.memory_space<vmem_shared>>)
      tpu.yield
    }) : () -> ()
    %mul3A_21 = arith.constant 640 : i32
    %mul3A_22 = arith.muli %arg1, %mul3A_21 : i32
    %add3A_23 = arith.constant 480 : i32
    %add3A_24 = arith.addi %mul3A_22, %add3A_23 : i32
    %run_scoped3A_25 = arith.constant 0 : i32
    "tpu.region"() ({
      %run_scoped3A_126 = tpu.sem_alloc : memref<!tpu.dma_semaphore, #tpu.memory_space<semaphore_mem>>
      %dma_start3A_127 = arith.constant 0 : i32
      %dma_start3A_128 = arith.constant 0 : i32
      %dma_start3A_129 = tpu.memref_slice %arg8[%run_scoped3A_25, %dma_start3A_127, %dma_start3A_128] : memref<2x125x128xf32, #tpu.memory_space<vmem>> -> memref<1x120x128xf32, #tpu.memory_space<vmem>>
      %dma_start3A_130 = tpu.memref_squeeze %dma_start3A_129 : memref<1x120x128xf32, #tpu.memory_space<vmem>> -> memref<120x128xf32, #tpu.memory_space<vmem>>
      %dma_start3A_131 = arith.constant 0 : i32
      %dma_start3A_132 = tpu.memref_slice %arg9[%add3A_24, %dma_start3A_131] : memref<10240x128xf32, #tpu.memory_space<vmem_shared>> -> memref<120x128xf32, #tpu.memory_space<vmem_shared>>
      %dma_start3A_133 = arith.constant 0 : i32
      %dma_start3A_134 = tpu.memref_slice %arg9[%add3A_24, %dma_start3A_133] : memref<10240x128xf32, #tpu.memory_space<vmem_shared>> -> memref<120x128xf32, #tpu.memory_space<vmem_shared>>
      %dma_start3A_135 = arith.constant 0 : i32
      %dma_start3A_136 = arith.constant 0 : i32
      %dma_start3A_137 = tpu.memref_slice %arg8[%run_scoped3A_25, %dma_start3A_135, %dma_start3A_136] : memref<2x125x128xf32, #tpu.memory_space<vmem>> -> memref<1x120x128xf32, #tpu.memory_space<vmem>>
      %dma_start3A_138 = tpu.memref_squeeze %dma_start3A_137 : memref<1x120x128xf32, #tpu.memory_space<vmem>> -> memref<120x128xf32, #tpu.memory_space<vmem>>
      tpu.enqueue_dma source(%dma_start3A_138 : memref<120x128xf32, #tpu.memory_space<vmem>>) target(%dma_start3A_134 : memref<120x128xf32, #tpu.memory_space<vmem_shared>>) target_semaphore(%run_scoped3A_126 : memref<!tpu.dma_semaphore, #tpu.memory_space<semaphore_mem>>)
      %dma_wait3A_139 = arith.constant 0 : i32
      %dma_wait3A_140 = arith.constant 0 : i32
      %dma_wait3A_141 = tpu.memref_slice %arg8[%run_scoped3A_25, %dma_wait3A_139, %dma_wait3A_140] : memref<2x125x128xf32, #tpu.memory_space<vmem>> -> memref<1x120x128xf32, #tpu.memory_space<vmem>>
      %dma_wait3A_142 = tpu.memref_squeeze %dma_wait3A_141 : memref<1x120x128xf32, #tpu.memory_space<vmem>> -> memref<120x128xf32, #tpu.memory_space<vmem>>
      %dma_wait3A_143 = arith.constant 0 : i32
      %dma_wait3A_144 = tpu.memref_slice %arg9[%add3A_24, %dma_wait3A_143] : memref<10240x128xf32, #tpu.memory_space<vmem_shared>> -> memref<120x128xf32, #tpu.memory_space<vmem_shared>>
      %dma_wait3A_145 = arith.constant 0 : i32
      %dma_wait3A_146 = tpu.memref_slice %arg9[%add3A_24, %dma_wait3A_145] : memref<10240x128xf32, #tpu.memory_space<vmem_shared>> -> memref<120x128xf32, #tpu.memory_space<vmem_shared>>
      %dma_wait3A_147 = arith.constant 0 : i32
      %dma_wait3A_148 = arith.constant 0 : i32
      %dma_wait3A_149 = tpu.memref_slice %arg8[%run_scoped3A_25, %dma_wait3A_147, %dma_wait3A_148] : memref<2x125x128xf32, #tpu.memory_space<vmem>> -> memref<1x120x128xf32, #tpu.memory_space<vmem>>
      %dma_wait3A_150 = tpu.memref_squeeze %dma_wait3A_149 : memref<1x120x128xf32, #tpu.memory_space<vmem>> -> memref<120x128xf32, #tpu.memory_space<vmem>>
      tpu.wait_dma2 semaphore(%run_scoped3A_126 : memref<!tpu.dma_semaphore, #tpu.memory_space<semaphore_mem>>) src(%dma_wait3A_150 : memref<120x128xf32, #tpu.memory_space<vmem>>) dst(%dma_wait3A_146 : memref<120x128xf32, #tpu.memory_space<vmem_shared>>)
      tpu.yield
    }) : () -> ()
    %mul3A_26 = arith.constant 640 : i32
    %mul3A_27 = arith.muli %arg1, %mul3A_26 : i32
    %add3A_28 = arith.constant 600 : i32
    %add3A_29 = arith.addi %mul3A_27, %add3A_28 : i32
    %run_scoped3A_30 = arith.constant 0 : i32
    "tpu.region"() ({
      %run_scoped3A_126 = tpu.sem_alloc : memref<!tpu.dma_semaphore, #tpu.memory_space<semaphore_mem>>
      %dma_start3A_127 = arith.constant 0 : i32
      %dma_start3A_128 = arith.constant 0 : i32
      %dma_start3A_129 = tpu.memref_slice %arg8[%run_scoped3A_30, %dma_start3A_127, %dma_start3A_128] : memref<2x125x128xf32, #tpu.memory_space<vmem>> -> memref<1x40x128xf32, #tpu.memory_space<vmem>>
      %dma_start3A_130 = tpu.memref_squeeze %dma_start3A_129 : memref<1x40x128xf32, #tpu.memory_space<vmem>> -> memref<40x128xf32, #tpu.memory_space<vmem>>
      %dma_start3A_131 = arith.constant 0 : i32
      %dma_start3A_132 = tpu.memref_slice %arg9[%add3A_29, %dma_start3A_131] : memref<10240x128xf32, #tpu.memory_space<vmem_shared>> -> memref<40x128xf32, #tpu.memory_space<vmem_shared>>
      %dma_start3A_133 = arith.constant 0 : i32
      %dma_start3A_134 = tpu.memref_slice %arg9[%add3A_29, %dma_start3A_133] : memref<10240x128xf32, #tpu.memory_space<vmem_shared>> -> memref<40x128xf32, #tpu.memory_space<vmem_shared>>
      %dma_start3A_135 = arith.constant 0 : i32
      %dma_start3A_136 = arith.constant 0 : i32
      %dma_start3A_137 = tpu.memref_slice %arg8[%run_scoped3A_30, %dma_start3A_135, %dma_start3A_136] : memref<2x125x128xf32, #tpu.memory_space<vmem>> -> memref<1x40x128xf32, #tpu.memory_space<vmem>>
      %dma_start3A_138 = tpu.memref_squeeze %dma_start3A_137 : memref<1x40x128xf32, #tpu.memory_space<vmem>> -> memref<40x128xf32, #tpu.memory_space<vmem>>
      tpu.enqueue_dma source(%dma_start3A_138 : memref<40x128xf32, #tpu.memory_space<vmem>>) target(%dma_start3A_134 : memref<40x128xf32, #tpu.memory_space<vmem_shared>>) target_semaphore(%run_scoped3A_126 : memref<!tpu.dma_semaphore, #tpu.memory_space<semaphore_mem>>)
      %dma_wait3A_139 = arith.constant 0 : i32
      %dma_wait3A_140 = arith.constant 0 : i32
      %dma_wait3A_141 = tpu.memref_slice %arg8[%run_scoped3A_30, %dma_wait3A_139, %dma_wait3A_140] : memref<2x125x128xf32, #tpu.memory_space<vmem>> -> memref<1x40x128xf32, #tpu.memory_space<vmem>>
      %dma_wait3A_142 = tpu.memref_squeeze %dma_wait3A_141 : memref<1x40x128xf32, #tpu.memory_space<vmem>> -> memref<40x128xf32, #tpu.memory_space<vmem>>
      %dma_wait3A_143 = arith.constant 0 : i32
      %dma_wait3A_144 = tpu.memref_slice %arg9[%add3A_29, %dma_wait3A_143] : memref<10240x128xf32, #tpu.memory_space<vmem_shared>> -> memref<40x128xf32, #tpu.memory_space<vmem_shared>>
      %dma_wait3A_145 = arith.constant 0 : i32
      %dma_wait3A_146 = tpu.memref_slice %arg9[%add3A_29, %dma_wait3A_145] : memref<10240x128xf32, #tpu.memory_space<vmem_shared>> -> memref<40x128xf32, #tpu.memory_space<vmem_shared>>
      %dma_wait3A_147 = arith.constant 0 : i32
      %dma_wait3A_148 = arith.constant 0 : i32
      %dma_wait3A_149 = tpu.memref_slice %arg8[%run_scoped3A_30, %dma_wait3A_147, %dma_wait3A_148] : memref<2x125x128xf32, #tpu.memory_space<vmem>> -> memref<1x40x128xf32, #tpu.memory_space<vmem>>
      %dma_wait3A_150 = tpu.memref_squeeze %dma_wait3A_149 : memref<1x40x128xf32, #tpu.memory_space<vmem>> -> memref<40x128xf32, #tpu.memory_space<vmem>>
      tpu.wait_dma2 semaphore(%run_scoped3A_126 : memref<!tpu.dma_semaphore, #tpu.memory_space<semaphore_mem>>) src(%dma_wait3A_150 : memref<40x128xf32, #tpu.memory_space<vmem>>) dst(%dma_wait3A_146 : memref<40x128xf32, #tpu.memory_space<vmem_shared>>)
      tpu.yield
    }) : () -> ()
    %run_scoped3A_31 = arith.constant 0 : i32
    %run_scoped3A_32 = arith.constant 0 : i32
    %run_scoped3A_33 = arith.constant 0 : i32
    "tpu.region"() ({
      %run_scoped3A_126 = tpu.sem_alloc : memref<!tpu.dma_semaphore, #tpu.memory_space<semaphore_mem>>
      %dma_start3A_127 = arith.constant 0 : i32
      %dma_start3A_128 = tpu.memref_slice %arg6[%run_scoped3A_33, %dma_start3A_127] : memref<2x125xi32, #tpu.memory_space<vmem>> -> memref<1x125xi32, #tpu.memory_space<vmem>>
      %dma_start3A_129 = tpu.memref_squeeze %dma_start3A_128 : memref<1x125xi32, #tpu.memory_space<vmem>> -> memref<125xi32, #tpu.memory_space<vmem>>
      %dma_start3A_130 = arith.constant 0 : i32
      %dma_start3A_131 = tpu.memref_slice %arg3[%run_scoped3A_31, %add3A, %run_scoped3A_32, %dma_start3A_130] : memref<2x32x80x125xi32, #tpu.memory_space<hbm>> -> memref<1x1x1x125xi32, #tpu.memory_space<hbm>>
      %dma_start3A_132 = tpu.memref_squeeze %dma_start3A_131 : memref<1x1x1x125xi32, #tpu.memory_space<hbm>> -> memref<125xi32, #tpu.memory_space<hbm>>
      %dma_start3A_133 = arith.constant 0 : i32
      %dma_start3A_134 = tpu.memref_slice %arg6[%run_scoped3A_33, %dma_start3A_133] : memref<2x125xi32, #tpu.memory_space<vmem>> -> memref<1x125xi32, #tpu.memory_space<vmem>>
      %dma_start3A_135 = tpu.memref_squeeze %dma_start3A_134 : memref<1x125xi32, #tpu.memory_space<vmem>> -> memref<125xi32, #tpu.memory_space<vmem>>
      %dma_start3A_136 = arith.constant 0 : i32
      %dma_start3A_137 = tpu.memref_slice %arg3[%run_scoped3A_31, %add3A, %run_scoped3A_32, %dma_start3A_136] : memref<2x32x80x125xi32, #tpu.memory_space<hbm>> -> memref<1x1x1x125xi32, #tpu.memory_space<hbm>>
      %dma_start3A_138 = tpu.memref_squeeze %dma_start3A_137 : memref<1x1x1x125xi32, #tpu.memory_space<hbm>> -> memref<125xi32, #tpu.memory_space<hbm>>
      tpu.enqueue_dma source(%dma_start3A_138 : memref<125xi32, #tpu.memory_space<hbm>>) target(%dma_start3A_135 : memref<125xi32, #tpu.memory_space<vmem>>) target_semaphore(%run_scoped3A_126 : memref<!tpu.dma_semaphore, #tpu.memory_space<semaphore_mem>>)
      %dma_wait3A_139 = arith.constant 0 : i32
      %dma_wait3A_140 = tpu.memref_slice %arg6[%run_scoped3A_33, %dma_wait3A_139] : memref<2x125xi32, #tpu.memory_space<vmem>> -> memref<1x125xi32, #tpu.memory_space<vmem>>
      %dma_wait3A_141 = tpu.memref_squeeze %dma_wait3A_140 : memref<1x125xi32, #tpu.memory_space<vmem>> -> memref<125xi32, #tpu.memory_space<vmem>>
      %dma_wait3A_142 = arith.constant 0 : i32
      %dma_wait3A_143 = tpu.memref_slice %arg3[%run_scoped3A_31, %add3A, %run_scoped3A_32, %dma_wait3A_142] : memref<2x32x80x125xi32, #tpu.memory_space<hbm>> -> memref<1x1x1x125xi32, #tpu.memory_space<hbm>>
      %dma_wait3A_144 = tpu.memref_squeeze %dma_wait3A_143 : memref<1x1x1x125xi32, #tpu.memory_space<hbm>> -> memref<125xi32, #tpu.memory_space<hbm>>
      %dma_wait3A_145 = arith.constant 0 : i32
      %dma_wait3A_146 = tpu.memref_slice %arg6[%run_scoped3A_33, %dma_wait3A_145] : memref<2x125xi32, #tpu.memory_space<vmem>> -> memref<1x125xi32, #tpu.memory_space<vmem>>
      %dma_wait3A_147 = tpu.memref_squeeze %dma_wait3A_146 : memref<1x125xi32, #tpu.memory_space<vmem>> -> memref<125xi32, #tpu.memory_space<vmem>>
      %dma_wait3A_148 = arith.constant 0 : i32
      %dma_wait3A_149 = tpu.memref_slice %arg3[%run_scoped3A_31, %add3A, %run_scoped3A_32, %dma_wait3A_148] : memref<2x32x80x125xi32, #tpu.memory_space<hbm>> -> memref<1x1x1x125xi32, #tpu.memory_space<hbm>>
      %dma_wait3A_150 = tpu.memref_squeeze %dma_wait3A_149 : memref<1x1x1x125xi32, #tpu.memory_space<hbm>> -> memref<125xi32, #tpu.memory_space<hbm>>
      tpu.wait_dma2 semaphore(%run_scoped3A_126 : memref<!tpu.dma_semaphore, #tpu.memory_space<semaphore_mem>>) src(%dma_wait3A_150 : memref<125xi32, #tpu.memory_space<hbm>>) dst(%dma_wait3A_147 : memref<125xi32, #tpu.memory_space<vmem>>)
      tpu.yield
    }) : () -> ()
    %run_scoped3A_34 = arith.constant 1 : i32
    %run_scoped3A_35 = arith.constant 0 : i32
    %run_scoped3A_36 = arith.constant 0 : i32
    "tpu.region"() ({
      %run_scoped3A_126 = tpu.sem_alloc : memref<!tpu.dma_semaphore, #tpu.memory_space<semaphore_mem>>
      %dma_start3A_127 = arith.constant 0 : i32
      %dma_start3A_128 = tpu.memref_slice %arg7[%run_scoped3A_36, %dma_start3A_127] : memref<3x125xi32, #tpu.memory_space<vmem>> -> memref<1x125xi32, #tpu.memory_space<vmem>>
      %dma_start3A_129 = tpu.memref_squeeze %dma_start3A_128 : memref<1x125xi32, #tpu.memory_space<vmem>> -> memref<125xi32, #tpu.memory_space<vmem>>
      %dma_start3A_130 = arith.constant 0 : i32
      %dma_start3A_131 = tpu.memref_slice %arg3[%run_scoped3A_34, %add3A, %run_scoped3A_35, %dma_start3A_130] : memref<2x32x80x125xi32, #tpu.memory_space<hbm>> -> memref<1x1x1x125xi32, #tpu.memory_space<hbm>>
      %dma_start3A_132 = tpu.memref_squeeze %dma_start3A_131 : memref<1x1x1x125xi32, #tpu.memory_space<hbm>> -> memref<125xi32, #tpu.memory_space<hbm>>
      %dma_start3A_133 = arith.constant 0 : i32
      %dma_start3A_134 = tpu.memref_slice %arg7[%run_scoped3A_36, %dma_start3A_133] : memref<3x125xi32, #tpu.memory_space<vmem>> -> memref<1x125xi32, #tpu.memory_space<vmem>>
      %dma_start3A_135 = tpu.memref_squeeze %dma_start3A_134 : memref<1x125xi32, #tpu.memory_space<vmem>> -> memref<125xi32, #tpu.memory_space<vmem>>
      %dma_start3A_136 = arith.constant 0 : i32
      %dma_start3A_137 = tpu.memref_slice %arg3[%run_scoped3A_34, %add3A, %run_scoped3A_35, %dma_start3A_136] : memref<2x32x80x125xi32, #tpu.memory_space<hbm>> -> memref<1x1x1x125xi32, #tpu.memory_space<hbm>>
      %dma_start3A_138 = tpu.memref_squeeze %dma_start3A_137 : memref<1x1x1x125xi32, #tpu.memory_space<hbm>> -> memref<125xi32, #tpu.memory_space<hbm>>
      tpu.enqueue_dma source(%dma_start3A_138 : memref<125xi32, #tpu.memory_space<hbm>>) target(%dma_start3A_135 : memref<125xi32, #tpu.memory_space<vmem>>) target_semaphore(%run_scoped3A_126 : memref<!tpu.dma_semaphore, #tpu.memory_space<semaphore_mem>>)
      %dma_wait3A_139 = arith.constant 0 : i32
      %dma_wait3A_140 = tpu.memref_slice %arg7[%run_scoped3A_36, %dma_wait3A_139] : memref<3x125xi32, #tpu.memory_space<vmem>> -> memref<1x125xi32, #tpu.memory_space<vmem>>
      %dma_wait3A_141 = tpu.memref_squeeze %dma_wait3A_140 : memref<1x125xi32, #tpu.memory_space<vmem>> -> memref<125xi32, #tpu.memory_space<vmem>>
      %dma_wait3A_142 = arith.constant 0 : i32
      %dma_wait3A_143 = tpu.memref_slice %arg3[%run_scoped3A_34, %add3A, %run_scoped3A_35, %dma_wait3A_142] : memref<2x32x80x125xi32, #tpu.memory_space<hbm>> -> memref<1x1x1x125xi32, #tpu.memory_space<hbm>>
      %dma_wait3A_144 = tpu.memref_squeeze %dma_wait3A_143 : memref<1x1x1x125xi32, #tpu.memory_space<hbm>> -> memref<125xi32, #tpu.memory_space<hbm>>
      %dma_wait3A_145 = arith.constant 0 : i32
      %dma_wait3A_146 = tpu.memref_slice %arg7[%run_scoped3A_36, %dma_wait3A_145] : memref<3x125xi32, #tpu.memory_space<vmem>> -> memref<1x125xi32, #tpu.memory_space<vmem>>
      %dma_wait3A_147 = tpu.memref_squeeze %dma_wait3A_146 : memref<1x125xi32, #tpu.memory_space<vmem>> -> memref<125xi32, #tpu.memory_space<vmem>>
      %dma_wait3A_148 = arith.constant 0 : i32
      %dma_wait3A_149 = tpu.memref_slice %arg3[%run_scoped3A_34, %add3A, %run_scoped3A_35, %dma_wait3A_148] : memref<2x32x80x125xi32, #tpu.memory_space<hbm>> -> memref<1x1x1x125xi32, #tpu.memory_space<hbm>>
      %dma_wait3A_150 = tpu.memref_squeeze %dma_wait3A_149 : memref<1x1x1x125xi32, #tpu.memory_space<hbm>> -> memref<125xi32, #tpu.memory_space<hbm>>
      tpu.wait_dma2 semaphore(%run_scoped3A_126 : memref<!tpu.dma_semaphore, #tpu.memory_space<semaphore_mem>>) src(%dma_wait3A_150 : memref<125xi32, #tpu.memory_space<hbm>>) dst(%dma_wait3A_147 : memref<125xi32, #tpu.memory_space<vmem>>)
      tpu.yield
    }) : () -> ()
    %dma_start3A = arith.constant 0 : i32
    %dma_start3A_37 = arith.constant 1 : i32
    %dma_start3A_38 = arith.constant 1 : i32
    %dma_start3A_39 = arith.constant 1 : i32
    %dma_start3A_40 = arith.constant 0 : i32
    %dma_start3A_41 = tpu.memref_slice %arg6[%dma_start3A_38, %dma_start3A_40] : memref<2x125xi32, #tpu.memory_space<vmem>> -> memref<1x125xi32, #tpu.memory_space<vmem>>
    %dma_start3A_42 = tpu.memref_squeeze %dma_start3A_41 : memref<1x125xi32, #tpu.memory_space<vmem>> -> memref<125xi32, #tpu.memory_space<vmem>>
    %dma_start3A_43 = arith.constant 0 : i32
    %dma_start3A_44 = tpu.memref_slice %arg3[%dma_start3A, %add3A, %dma_start3A_37, %dma_start3A_43] : memref<2x32x80x125xi32, #tpu.memory_space<hbm>> -> memref<1x1x1x125xi32, #tpu.memory_space<hbm>>
    %dma_start3A_45 = tpu.memref_squeeze %dma_start3A_44 : memref<1x1x1x125xi32, #tpu.memory_space<hbm>> -> memref<125xi32, #tpu.memory_space<hbm>>
    %dma_start3A_46 = tpu.memref_slice %arg10[%dma_start3A_39] : memref<2x!tpu.dma_semaphore, #tpu.memory_space<semaphore_mem>> -> memref<1x!tpu.dma_semaphore, #tpu.memory_space<semaphore_mem>>
    %dma_start3A_47 = tpu.memref_squeeze %dma_start3A_46 : memref<1x!tpu.dma_semaphore, #tpu.memory_space<semaphore_mem>> -> memref<!tpu.dma_semaphore, #tpu.memory_space<semaphore_mem>>
    %dma_start3A_48 = arith.constant 0 : i32
    %dma_start3A_49 = tpu.memref_slice %arg6[%dma_start3A_38, %dma_start3A_48] : memref<2x125xi32, #tpu.memory_space<vmem>> -> memref<1x125xi32, #tpu.memory_space<vmem>>
    %dma_start3A_50 = tpu.memref_squeeze %dma_start3A_49 : memref<1x125xi32, #tpu.memory_space<vmem>> -> memref<125xi32, #tpu.memory_space<vmem>>
    %dma_start3A_51 = arith.constant 0 : i32
    %dma_start3A_52 = tpu.memref_slice %arg3[%dma_start3A, %add3A, %dma_start3A_37, %dma_start3A_51] : memref<2x32x80x125xi32, #tpu.memory_space<hbm>> -> memref<1x1x1x125xi32, #tpu.memory_space<hbm>>
    %dma_start3A_53 = tpu.memref_squeeze %dma_start3A_52 : memref<1x1x1x125xi32, #tpu.memory_space<hbm>> -> memref<125xi32, #tpu.memory_space<hbm>>
    tpu.enqueue_dma source(%dma_start3A_53 : memref<125xi32, #tpu.memory_space<hbm>>) target(%dma_start3A_50 : memref<125xi32, #tpu.memory_space<vmem>>) target_semaphore(%dma_start3A_47 : memref<!tpu.dma_semaphore, #tpu.memory_space<semaphore_mem>>)
    %dma_start3A_54 = arith.constant 1 : i32
    %dma_start3A_55 = arith.constant 1 : i32
    %dma_start3A_56 = arith.constant 1 : i32
    %dma_start3A_57 = arith.constant 1 : i32
    %dma_start3A_58 = arith.constant 0 : i32
    %dma_start3A_59 = tpu.memref_slice %arg7[%dma_start3A_56, %dma_start3A_58] : memref<3x125xi32, #tpu.memory_space<vmem>> -> memref<1x125xi32, #tpu.memory_space<vmem>>
    %dma_start3A_60 = tpu.memref_squeeze %dma_start3A_59 : memref<1x125xi32, #tpu.memory_space<vmem>> -> memref<125xi32, #tpu.memory_space<vmem>>
    %dma_start3A_61 = arith.constant 0 : i32
    %dma_start3A_62 = tpu.memref_slice %arg3[%dma_start3A_54, %add3A, %dma_start3A_55, %dma_start3A_61] : memref<2x32x80x125xi32, #tpu.memory_space<hbm>> -> memref<1x1x1x125xi32, #tpu.memory_space<hbm>>
    %dma_start3A_63 = tpu.memref_squeeze %dma_start3A_62 : memref<1x1x1x125xi32, #tpu.memory_space<hbm>> -> memref<125xi32, #tpu.memory_space<hbm>>
    %dma_start3A_64 = tpu.memref_slice %arg11[%dma_start3A_57] : memref<3x!tpu.dma_semaphore, #tpu.memory_space<semaphore_mem>> -> memref<1x!tpu.dma_semaphore, #tpu.memory_space<semaphore_mem>>
    %dma_start3A_65 = tpu.memref_squeeze %dma_start3A_64 : memref<1x!tpu.dma_semaphore, #tpu.memory_space<semaphore_mem>> -> memref<!tpu.dma_semaphore, #tpu.memory_space<semaphore_mem>>
    %dma_start3A_66 = arith.constant 0 : i32
    %dma_start3A_67 = tpu.memref_slice %arg7[%dma_start3A_56, %dma_start3A_66] : memref<3x125xi32, #tpu.memory_space<vmem>> -> memref<1x125xi32, #tpu.memory_space<vmem>>
    %dma_start3A_68 = tpu.memref_squeeze %dma_start3A_67 : memref<1x125xi32, #tpu.memory_space<vmem>> -> memref<125xi32, #tpu.memory_space<vmem>>
    %dma_start3A_69 = arith.constant 0 : i32
    %dma_start3A_70 = tpu.memref_slice %arg3[%dma_start3A_54, %add3A, %dma_start3A_55, %dma_start3A_69] : memref<2x32x80x125xi32, #tpu.memory_space<hbm>> -> memref<1x1x1x125xi32, #tpu.memory_space<hbm>>
    %dma_start3A_71 = tpu.memref_squeeze %dma_start3A_70 : memref<1x1x1x125xi32, #tpu.memory_space<hbm>> -> memref<125xi32, #tpu.memory_space<hbm>>
    tpu.enqueue_dma source(%dma_start3A_71 : memref<125xi32, #tpu.memory_space<hbm>>) target(%dma_start3A_68 : memref<125xi32, #tpu.memory_space<vmem>>) target_semaphore(%dma_start3A_65 : memref<!tpu.dma_semaphore, #tpu.memory_space<semaphore_mem>>)
    %dma_start3A_72 = arith.constant 0 : i32
    %dma_start3A_73 = arith.constant 0 : i32
    %dma_start3A_74 = arith.constant 0 : i32
    %dma_start3A_75 = arith.constant 0 : i32
    %dma_start3A_76 = arith.constant 0 : i32
    %dma_start3A_77 = tpu.memref_slice %arg8[%dma_start3A_73, %dma_start3A_75, %dma_start3A_76] : memref<2x125x128xf32, #tpu.memory_space<vmem>> -> memref<1x125x128xf32, #tpu.memory_space<vmem>>
    %dma_start3A_78 = tpu.memref_squeeze %dma_start3A_77 : memref<1x125x128xf32, #tpu.memory_space<vmem>> -> memref<125x128xf32, #tpu.memory_space<vmem>>
    %dma_start3A_79 = arith.constant 0 : i32
    %dma_start3A_80 = tpu.memref_slice %arg6[%dma_start3A_72, %dma_start3A_79] : memref<2x125xi32, #tpu.memory_space<vmem>> -> memref<1x125xi32, #tpu.memory_space<vmem>>
    %dma_start3A_81 = tpu.memref_squeeze %dma_start3A_80 : memref<1x125xi32, #tpu.memory_space<vmem>> -> memref<125xi32, #tpu.memory_space<vmem>>
    %dma_start3A_82 = arith.constant 0 : i32
    %dma_start3A_83 = arith.constant 0 : i32
    %dma_start3A_84 = tpu.memref_slice %arg2[%dma_start3A_82, %dma_start3A_83] : memref<10000x128xf32, #tpu.memory_space<hbm>> -> memref<10000x128xf32, #tpu.memory_space<hbm>>
    %dma_start3A_85 = tpu.memref_slice %arg12[%dma_start3A_74] : memref<2x!tpu.dma_semaphore, #tpu.memory_space<semaphore_mem>> -> memref<1x!tpu.dma_semaphore, #tpu.memory_space<semaphore_mem>>
    %dma_start3A_86 = tpu.memref_squeeze %dma_start3A_85 : memref<1x!tpu.dma_semaphore, #tpu.memory_space<semaphore_mem>> -> memref<!tpu.dma_semaphore, #tpu.memory_space<semaphore_mem>>
    tpu.enqueue_indirect_dma source(%dma_start3A_84 : memref<10000x128xf32, #tpu.memory_space<hbm>>) target(%dma_start3A_78 : memref<125x128xf32, #tpu.memory_space<vmem>>) offsets(%dma_start3A_81 : memref<125xi32, #tpu.memory_space<vmem>>) semaphore(%dma_start3A_86 : memref<!tpu.dma_semaphore, #tpu.memory_space<semaphore_mem>>)
    %barrier3A = arith.constant 0 : index
    tpu.barrier barrier_id(%barrier3A)
    %scan3A = arith.constant 0 : i32
    %scan3A_87 = arith.constant 0 : i32
    %scan3A_88 = arith.constant 80 : i32
    %scan3A_89 = arith.addi %scan3A_87, %scan3A_88 : i32
    %scan3A_90 = arith.constant 1 : i32
    scf.for %scan3A_126 = %scan3A_87 to %scan3A_89 step %scan3A_90  : i32 {
      %rem3A = arith.constant 2 : i32
      %rem3A_127 = arith.remsi %scan3A_126, %rem3A : i32
      %add3A_128 = arith.constant 1 : i32
      %add3A_129 = arith.addi %scan3A_126, %add3A_128 : i32
      %rem3A_130 = arith.constant 2 : i32
      %rem3A_131 = arith.remsi %add3A_129, %rem3A_130 : i32
      %rem3A_132 = arith.constant 3 : i32
      %rem3A_133 = arith.remsi %scan3A_126, %rem3A_132 : i32
      %lt3A = arith.constant 79 : i32
      %lt3A_134 = arith.cmpi slt, %scan3A_126, %lt3A : i32
      %convert_element_type3A = arith.extui %lt3A_134 : i1 to i32
      %cond3A = arith.constant 0 : i32
      %cond3A_135 = arith.cmpi ne, %convert_element_type3A, %cond3A : i32
      scf.if %cond3A_135 {
        %ge3A_169 = arith.constant 1 : i32
        %ge3A_170 = arith.cmpi sge, %scan3A_126, %ge3A_169 : i32
        %convert_element_type3A_171 = arith.extui %ge3A_170 : i1 to i32
        %cond3A_172 = arith.constant 0 : i32
        %cond3A_173 = arith.cmpi ne, %convert_element_type3A_171, %cond3A_172 : i32
        scf.if %cond3A_173 {
          %sub3A = arith.constant 1 : i32
          %sub3A_203 = arith.subi %scan3A_126, %sub3A : i32
          %rem3A_204 = arith.constant 3 : i32
          %rem3A_205 = arith.remsi %sub3A_203, %rem3A_204 : i32
          %dma_wait3A_206 = arith.constant 0 : i32
          %dma_wait3A_207 = arith.constant 0 : i32
          %dma_wait3A_208 = tpu.memref_slice %arg8[%rem3A_131, %dma_wait3A_206, %dma_wait3A_207] : memref<2x125x128xf32, #tpu.memory_space<vmem>> -> memref<1x125x128xf32, #tpu.memory_space<vmem>>
          %dma_wait3A_209 = tpu.memref_squeeze %dma_wait3A_208 : memref<1x125x128xf32, #tpu.memory_space<vmem>> -> memref<125x128xf32, #tpu.memory_space<vmem>>
          %dma_wait3A_210 = arith.constant 0 : i32
          %dma_wait3A_211 = tpu.memref_slice %arg7[%rem3A_205, %dma_wait3A_210] : memref<3x125xi32, #tpu.memory_space<vmem>> -> memref<1x125xi32, #tpu.memory_space<vmem>>
          %dma_wait3A_212 = tpu.memref_squeeze %dma_wait3A_211 : memref<1x125xi32, #tpu.memory_space<vmem>> -> memref<125xi32, #tpu.memory_space<vmem>>
          %dma_wait3A_213 = arith.constant 0 : i32
          %dma_wait3A_214 = arith.constant 0 : i32
          %dma_wait3A_215 = tpu.memref_slice %arg9[%dma_wait3A_213, %dma_wait3A_214] : memref<10240x128xf32, #tpu.memory_space<vmem_shared>> -> memref<10240x128xf32, #tpu.memory_space<vmem_shared>>
          %dma_wait3A_216 = tpu.memref_slice %arg13[%rem3A_131] : memref<2x!tpu.dma_semaphore, #tpu.memory_space<semaphore_mem>> -> memref<1x!tpu.dma_semaphore, #tpu.memory_space<semaphore_mem>>
          %dma_wait3A_217 = tpu.memref_squeeze %dma_wait3A_216 : memref<1x!tpu.dma_semaphore, #tpu.memory_space<semaphore_mem>> -> memref<!tpu.dma_semaphore, #tpu.memory_space<semaphore_mem>>
          tpu.wait_indirect_dma semaphore(%dma_wait3A_217 : memref<!tpu.dma_semaphore, #tpu.memory_space<semaphore_mem>>) src(%dma_wait3A_209 : memref<125x128xf32, #tpu.memory_space<vmem>>) dst(%dma_wait3A_215 : memref<10240x128xf32, #tpu.memory_space<vmem_shared>>)
        } else {
        }
        %add3A_174 = arith.constant 1 : i32
        %add3A_175 = arith.addi %scan3A_126, %add3A_174 : i32
        %dma_wait3A_176 = arith.constant 0 : i32
        %dma_wait3A_177 = arith.constant 0 : i32
        %dma_wait3A_178 = tpu.memref_slice %arg6[%rem3A_131, %dma_wait3A_177] : memref<2x125xi32, #tpu.memory_space<vmem>> -> memref<1x125xi32, #tpu.memory_space<vmem>>
        %dma_wait3A_179 = tpu.memref_squeeze %dma_wait3A_178 : memref<1x125xi32, #tpu.memory_space<vmem>> -> memref<125xi32, #tpu.memory_space<vmem>>
        %dma_wait3A_180 = arith.constant 0 : i32
        %dma_wait3A_181 = tpu.memref_slice %arg3[%dma_wait3A_176, %add3A, %add3A_175, %dma_wait3A_180] : memref<2x32x80x125xi32, #tpu.memory_space<hbm>> -> memref<1x1x1x125xi32, #tpu.memory_space<hbm>>
        %dma_wait3A_182 = tpu.memref_squeeze %dma_wait3A_181 : memref<1x1x1x125xi32, #tpu.memory_space<hbm>> -> memref<125xi32, #tpu.memory_space<hbm>>
        %dma_wait3A_183 = tpu.memref_slice %arg10[%rem3A_131] : memref<2x!tpu.dma_semaphore, #tpu.memory_space<semaphore_mem>> -> memref<1x!tpu.dma_semaphore, #tpu.memory_space<semaphore_mem>>
        %dma_wait3A_184 = tpu.memref_squeeze %dma_wait3A_183 : memref<1x!tpu.dma_semaphore, #tpu.memory_space<semaphore_mem>> -> memref<!tpu.dma_semaphore, #tpu.memory_space<semaphore_mem>>
        %dma_wait3A_185 = arith.constant 0 : i32
        %dma_wait3A_186 = tpu.memref_slice %arg6[%rem3A_131, %dma_wait3A_185] : memref<2x125xi32, #tpu.memory_space<vmem>> -> memref<1x125xi32, #tpu.memory_space<vmem>>
        %dma_wait3A_187 = tpu.memref_squeeze %dma_wait3A_186 : memref<1x125xi32, #tpu.memory_space<vmem>> -> memref<125xi32, #tpu.memory_space<vmem>>
        %dma_wait3A_188 = arith.constant 0 : i32
        %dma_wait3A_189 = tpu.memref_slice %arg3[%dma_wait3A_176, %add3A, %add3A_175, %dma_wait3A_188] : memref<2x32x80x125xi32, #tpu.memory_space<hbm>> -> memref<1x1x1x125xi32, #tpu.memory_space<hbm>>
        %dma_wait3A_190 = tpu.memref_squeeze %dma_wait3A_189 : memref<1x1x1x125xi32, #tpu.memory_space<hbm>> -> memref<125xi32, #tpu.memory_space<hbm>>
        tpu.wait_dma2 semaphore(%dma_wait3A_184 : memref<!tpu.dma_semaphore, #tpu.memory_space<semaphore_mem>>) src(%dma_wait3A_190 : memref<125xi32, #tpu.memory_space<hbm>>) dst(%dma_wait3A_187 : memref<125xi32, #tpu.memory_space<vmem>>)
        %dma_start3A_191 = arith.constant 0 : i32
        %dma_start3A_192 = arith.constant 0 : i32
        %dma_start3A_193 = tpu.memref_slice %arg8[%rem3A_131, %dma_start3A_191, %dma_start3A_192] : memref<2x125x128xf32, #tpu.memory_space<vmem>> -> memref<1x125x128xf32, #tpu.memory_space<vmem>>
        %dma_start3A_194 = tpu.memref_squeeze %dma_start3A_193 : memref<1x125x128xf32, #tpu.memory_space<vmem>> -> memref<125x128xf32, #tpu.memory_space<vmem>>
        %dma_start3A_195 = arith.constant 0 : i32
        %dma_start3A_196 = tpu.memref_slice %arg6[%rem3A_131, %dma_start3A_195] : memref<2x125xi32, #tpu.memory_space<vmem>> -> memref<1x125xi32, #tpu.memory_space<vmem>>
        %dma_start3A_197 = tpu.memref_squeeze %dma_start3A_196 : memref<1x125xi32, #tpu.memory_space<vmem>> -> memref<125xi32, #tpu.memory_space<vmem>>
        %dma_start3A_198 = arith.constant 0 : i32
        %dma_start3A_199 = arith.constant 0 : i32
        %dma_start3A_200 = tpu.memref_slice %arg2[%dma_start3A_198, %dma_start3A_199] : memref<10000x128xf32, #tpu.memory_space<hbm>> -> memref<10000x128xf32, #tpu.memory_space<hbm>>
        %dma_start3A_201 = tpu.memref_slice %arg12[%rem3A_131] : memref<2x!tpu.dma_semaphore, #tpu.memory_space<semaphore_mem>> -> memref<1x!tpu.dma_semaphore, #tpu.memory_space<semaphore_mem>>
        %dma_start3A_202 = tpu.memref_squeeze %dma_start3A_201 : memref<1x!tpu.dma_semaphore, #tpu.memory_space<semaphore_mem>> -> memref<!tpu.dma_semaphore, #tpu.memory_space<semaphore_mem>>
        tpu.enqueue_indirect_dma source(%dma_start3A_200 : memref<10000x128xf32, #tpu.memory_space<hbm>>) target(%dma_start3A_194 : memref<125x128xf32, #tpu.memory_space<vmem>>) offsets(%dma_start3A_197 : memref<125xi32, #tpu.memory_space<vmem>>) semaphore(%dma_start3A_202 : memref<!tpu.dma_semaphore, #tpu.memory_space<semaphore_mem>>)
      } else {
      }
      %dma_wait3A_136 = arith.constant 0 : i32
      %dma_wait3A_137 = arith.constant 0 : i32
      %dma_wait3A_138 = tpu.memref_slice %arg8[%rem3A_127, %dma_wait3A_136, %dma_wait3A_137] : memref<2x125x128xf32, #tpu.memory_space<vmem>> -> memref<1x125x128xf32, #tpu.memory_space<vmem>>
      %dma_wait3A_139 = tpu.memref_squeeze %dma_wait3A_138 : memref<1x125x128xf32, #tpu.memory_space<vmem>> -> memref<125x128xf32, #tpu.memory_space<vmem>>
      %dma_wait3A_140 = arith.constant 0 : i32
      %dma_wait3A_141 = tpu.memref_slice %arg6[%rem3A_127, %dma_wait3A_140] : memref<2x125xi32, #tpu.memory_space<vmem>> -> memref<1x125xi32, #tpu.memory_space<vmem>>
      %dma_wait3A_142 = tpu.memref_squeeze %dma_wait3A_141 : memref<1x125xi32, #tpu.memory_space<vmem>> -> memref<125xi32, #tpu.memory_space<vmem>>
      %dma_wait3A_143 = arith.constant 0 : i32
      %dma_wait3A_144 = arith.constant 0 : i32
      %dma_wait3A_145 = tpu.memref_slice %arg2[%dma_wait3A_143, %dma_wait3A_144] : memref<10000x128xf32, #tpu.memory_space<hbm>> -> memref<10000x128xf32, #tpu.memory_space<hbm>>
      %dma_wait3A_146 = tpu.memref_slice %arg12[%rem3A_127] : memref<2x!tpu.dma_semaphore, #tpu.memory_space<semaphore_mem>> -> memref<1x!tpu.dma_semaphore, #tpu.memory_space<semaphore_mem>>
      %dma_wait3A_147 = tpu.memref_squeeze %dma_wait3A_146 : memref<1x!tpu.dma_semaphore, #tpu.memory_space<semaphore_mem>> -> memref<!tpu.dma_semaphore, #tpu.memory_space<semaphore_mem>>
      tpu.wait_indirect_dma semaphore(%dma_wait3A_147 : memref<!tpu.dma_semaphore, #tpu.memory_space<semaphore_mem>>) src(%dma_wait3A_145 : memref<10000x128xf32, #tpu.memory_space<hbm>>) dst(%dma_wait3A_139 : memref<125x128xf32, #tpu.memory_space<vmem>>)
      %ge3A = arith.constant 1 : i32
      %ge3A_148 = arith.cmpi sge, %scan3A_126, %ge3A : i32
      %convert_element_type3A_149 = arith.extui %ge3A_148 : i1 to i32
      %cond3A_150 = arith.constant 0 : i32
      %cond3A_151 = arith.cmpi ne, %convert_element_type3A_149, %cond3A_150 : i32
      scf.if %cond3A_151 {
        %dma_wait3A_169 = arith.constant 1 : i32
        %dma_wait3A_170 = arith.constant 0 : i32
        %dma_wait3A_171 = tpu.memref_slice %arg7[%rem3A_133, %dma_wait3A_170] : memref<3x125xi32, #tpu.memory_space<vmem>> -> memref<1x125xi32, #tpu.memory_space<vmem>>
        %dma_wait3A_172 = tpu.memref_squeeze %dma_wait3A_171 : memref<1x125xi32, #tpu.memory_space<vmem>> -> memref<125xi32, #tpu.memory_space<vmem>>
        %dma_wait3A_173 = arith.constant 0 : i32
        %dma_wait3A_174 = tpu.memref_slice %arg3[%dma_wait3A_169, %add3A, %scan3A_126, %dma_wait3A_173] : memref<2x32x80x125xi32, #tpu.memory_space<hbm>> -> memref<1x1x1x125xi32, #tpu.memory_space<hbm>>
        %dma_wait3A_175 = tpu.memref_squeeze %dma_wait3A_174 : memref<1x1x1x125xi32, #tpu.memory_space<hbm>> -> memref<125xi32, #tpu.memory_space<hbm>>
        %dma_wait3A_176 = tpu.memref_slice %arg11[%rem3A_133] : memref<3x!tpu.dma_semaphore, #tpu.memory_space<semaphore_mem>> -> memref<1x!tpu.dma_semaphore, #tpu.memory_space<semaphore_mem>>
        %dma_wait3A_177 = tpu.memref_squeeze %dma_wait3A_176 : memref<1x!tpu.dma_semaphore, #tpu.memory_space<semaphore_mem>> -> memref<!tpu.dma_semaphore, #tpu.memory_space<semaphore_mem>>
        %dma_wait3A_178 = arith.constant 0 : i32
        %dma_wait3A_179 = tpu.memref_slice %arg7[%rem3A_133, %dma_wait3A_178] : memref<3x125xi32, #tpu.memory_space<vmem>> -> memref<1x125xi32, #tpu.memory_space<vmem>>
        %dma_wait3A_180 = tpu.memref_squeeze %dma_wait3A_179 : memref<1x125xi32, #tpu.memory_space<vmem>> -> memref<125xi32, #tpu.memory_space<vmem>>
        %dma_wait3A_181 = arith.constant 0 : i32
        %dma_wait3A_182 = tpu.memref_slice %arg3[%dma_wait3A_169, %add3A, %scan3A_126, %dma_wait3A_181] : memref<2x32x80x125xi32, #tpu.memory_space<hbm>> -> memref<1x1x1x125xi32, #tpu.memory_space<hbm>>
        %dma_wait3A_183 = tpu.memref_squeeze %dma_wait3A_182 : memref<1x1x1x125xi32, #tpu.memory_space<hbm>> -> memref<125xi32, #tpu.memory_space<hbm>>
        tpu.wait_dma2 semaphore(%dma_wait3A_177 : memref<!tpu.dma_semaphore, #tpu.memory_space<semaphore_mem>>) src(%dma_wait3A_183 : memref<125xi32, #tpu.memory_space<hbm>>) dst(%dma_wait3A_180 : memref<125xi32, #tpu.memory_space<vmem>>)
      } else {
      }
      %dma_start3A_152 = arith.constant 0 : i32
      %dma_start3A_153 = arith.constant 0 : i32
      %dma_start3A_154 = tpu.memref_slice %arg8[%rem3A_127, %dma_start3A_152, %dma_start3A_153] : memref<2x125x128xf32, #tpu.memory_space<vmem>> -> memref<1x125x128xf32, #tpu.memory_space<vmem>>
      %dma_start3A_155 = tpu.memref_squeeze %dma_start3A_154 : memref<1x125x128xf32, #tpu.memory_space<vmem>> -> memref<125x128xf32, #tpu.memory_space<vmem>>
      %dma_start3A_156 = arith.constant 0 : i32
      %dma_start3A_157 = tpu.memref_slice %arg7[%rem3A_133, %dma_start3A_156] : memref<3x125xi32, #tpu.memory_space<vmem>> -> memref<1x125xi32, #tpu.memory_space<vmem>>
      %dma_start3A_158 = tpu.memref_squeeze %dma_start3A_157 : memref<1x125xi32, #tpu.memory_space<vmem>> -> memref<125xi32, #tpu.memory_space<vmem>>
      %dma_start3A_159 = arith.constant 0 : i32
      %dma_start3A_160 = arith.constant 0 : i32
      %dma_start3A_161 = tpu.memref_slice %arg9[%dma_start3A_159, %dma_start3A_160] : memref<10240x128xf32, #tpu.memory_space<vmem_shared>> -> memref<10240x128xf32, #tpu.memory_space<vmem_shared>>
      %dma_start3A_162 = tpu.memref_slice %arg13[%rem3A_127] : memref<2x!tpu.dma_semaphore, #tpu.memory_space<semaphore_mem>> -> memref<1x!tpu.dma_semaphore, #tpu.memory_space<semaphore_mem>>
      %dma_start3A_163 = tpu.memref_squeeze %dma_start3A_162 : memref<1x!tpu.dma_semaphore, #tpu.memory_space<semaphore_mem>> -> memref<!tpu.dma_semaphore, #tpu.memory_space<semaphore_mem>>
      tpu.enqueue_indirect_dma source(%dma_start3A_155 : memref<125x128xf32, #tpu.memory_space<vmem>>) target(%dma_start3A_161 : memref<10240x128xf32, #tpu.memory_space<vmem_shared>>) offsets(%dma_start3A_158 : memref<125xi32, #tpu.memory_space<vmem>>) semaphore(%dma_start3A_163 : memref<!tpu.dma_semaphore, #tpu.memory_space<semaphore_mem>>) {add = true}
      %lt3A_164 = arith.constant 78 : i32
      %lt3A_165 = arith.cmpi slt, %scan3A_126, %lt3A_164 : i32
      %convert_element_type3A_166 = arith.extui %lt3A_165 : i1 to i32
      %cond3A_167 = arith.constant 0 : i32
      %cond3A_168 = arith.cmpi ne, %convert_element_type3A_166, %cond3A_167 : i32
      scf.if %cond3A_168 {
        %add3A_169 = arith.constant 2 : i32
        %add3A_170 = arith.addi %scan3A_126, %add3A_169 : i32
        %dma_start3A_171 = arith.constant 0 : i32
        %dma_start3A_172 = arith.constant 0 : i32
        %dma_start3A_173 = tpu.memref_slice %arg6[%rem3A_127, %dma_start3A_172] : memref<2x125xi32, #tpu.memory_space<vmem>> -> memref<1x125xi32, #tpu.memory_space<vmem>>
        %dma_start3A_174 = tpu.memref_squeeze %dma_start3A_173 : memref<1x125xi32, #tpu.memory_space<vmem>> -> memref<125xi32, #tpu.memory_space<vmem>>
        %dma_start3A_175 = arith.constant 0 : i32
        %dma_start3A_176 = tpu.memref_slice %arg3[%dma_start3A_171, %add3A, %add3A_170, %dma_start3A_175] : memref<2x32x80x125xi32, #tpu.memory_space<hbm>> -> memref<1x1x1x125xi32, #tpu.memory_space<hbm>>
        %dma_start3A_177 = tpu.memref_squeeze %dma_start3A_176 : memref<1x1x1x125xi32, #tpu.memory_space<hbm>> -> memref<125xi32, #tpu.memory_space<hbm>>
        %dma_start3A_178 = tpu.memref_slice %arg10[%rem3A_127] : memref<2x!tpu.dma_semaphore, #tpu.memory_space<semaphore_mem>> -> memref<1x!tpu.dma_semaphore, #tpu.memory_space<semaphore_mem>>
        %dma_start3A_179 = tpu.memref_squeeze %dma_start3A_178 : memref<1x!tpu.dma_semaphore, #tpu.memory_space<semaphore_mem>> -> memref<!tpu.dma_semaphore, #tpu.memory_space<semaphore_mem>>
        %dma_start3A_180 = arith.constant 0 : i32
        %dma_start3A_181 = tpu.memref_slice %arg6[%rem3A_127, %dma_start3A_180] : memref<2x125xi32, #tpu.memory_space<vmem>> -> memref<1x125xi32, #tpu.memory_space<vmem>>
        %dma_start3A_182 = tpu.memref_squeeze %dma_start3A_181 : memref<1x125xi32, #tpu.memory_space<vmem>> -> memref<125xi32, #tpu.memory_space<vmem>>
        %dma_start3A_183 = arith.constant 0 : i32
        %dma_start3A_184 = tpu.memref_slice %arg3[%dma_start3A_171, %add3A, %add3A_170, %dma_start3A_183] : memref<2x32x80x125xi32, #tpu.memory_space<hbm>> -> memref<1x1x1x125xi32, #tpu.memory_space<hbm>>
        %dma_start3A_185 = tpu.memref_squeeze %dma_start3A_184 : memref<1x1x1x125xi32, #tpu.memory_space<hbm>> -> memref<125xi32, #tpu.memory_space<hbm>>
        tpu.enqueue_dma source(%dma_start3A_185 : memref<125xi32, #tpu.memory_space<hbm>>) target(%dma_start3A_182 : memref<125xi32, #tpu.memory_space<vmem>>) target_semaphore(%dma_start3A_179 : memref<!tpu.dma_semaphore, #tpu.memory_space<semaphore_mem>>)
        %add3A_186 = arith.constant 2 : i32
        %add3A_187 = arith.addi %scan3A_126, %add3A_186 : i32
        %add3A_188 = arith.constant 2 : i32
        %add3A_189 = arith.addi %scan3A_126, %add3A_188 : i32
        %rem3A_190 = arith.constant 3 : i32
        %rem3A_191 = arith.remsi %add3A_189, %rem3A_190 : i32
        %add3A_192 = arith.constant 2 : i32
        %add3A_193 = arith.addi %scan3A_126, %add3A_192 : i32
        %rem3A_194 = arith.constant 3 : i32
        %rem3A_195 = arith.remsi %add3A_193, %rem3A_194 : i32
        %dma_start3A_196 = arith.constant 1 : i32
        %dma_start3A_197 = arith.constant 0 : i32
        %dma_start3A_198 = tpu.memref_slice %arg7[%rem3A_191, %dma_start3A_197] : memref<3x125xi32, #tpu.memory_space<vmem>> -> memref<1x125xi32, #tpu.memory_space<vmem>>
        %dma_start3A_199 = tpu.memref_squeeze %dma_start3A_198 : memref<1x125xi32, #tpu.memory_space<vmem>> -> memref<125xi32, #tpu.memory_space<vmem>>
        %dma_start3A_200 = arith.constant 0 : i32
        %dma_start3A_201 = tpu.memref_slice %arg3[%dma_start3A_196, %add3A, %add3A_187, %dma_start3A_200] : memref<2x32x80x125xi32, #tpu.memory_space<hbm>> -> memref<1x1x1x125xi32, #tpu.memory_space<hbm>>
        %dma_start3A_202 = tpu.memref_squeeze %dma_start3A_201 : memref<1x1x1x125xi32, #tpu.memory_space<hbm>> -> memref<125xi32, #tpu.memory_space<hbm>>
        %dma_start3A_203 = tpu.memref_slice %arg11[%rem3A_195] : memref<3x!tpu.dma_semaphore, #tpu.memory_space<semaphore_mem>> -> memref<1x!tpu.dma_semaphore, #tpu.memory_space<semaphore_mem>>
        %dma_start3A_204 = tpu.memref_squeeze %dma_start3A_203 : memref<1x!tpu.dma_semaphore, #tpu.memory_space<semaphore_mem>> -> memref<!tpu.dma_semaphore, #tpu.memory_space<semaphore_mem>>
        %dma_start3A_205 = arith.constant 0 : i32
        %dma_start3A_206 = tpu.memref_slice %arg7[%rem3A_191, %dma_start3A_205] : memref<3x125xi32, #tpu.memory_space<vmem>> -> memref<1x125xi32, #tpu.memory_space<vmem>>
        %dma_start3A_207 = tpu.memref_squeeze %dma_start3A_206 : memref<1x125xi32, #tpu.memory_space<vmem>> -> memref<125xi32, #tpu.memory_space<vmem>>
        %dma_start3A_208 = arith.constant 0 : i32
        %dma_start3A_209 = tpu.memref_slice %arg3[%dma_start3A_196, %add3A, %add3A_187, %dma_start3A_208] : memref<2x32x80x125xi32, #tpu.memory_space<hbm>> -> memref<1x1x1x125xi32, #tpu.memory_space<hbm>>
        %dma_start3A_210 = tpu.memref_squeeze %dma_start3A_209 : memref<1x1x1x125xi32, #tpu.memory_space<hbm>> -> memref<125xi32, #tpu.memory_space<hbm>>
        tpu.enqueue_dma source(%dma_start3A_210 : memref<125xi32, #tpu.memory_space<hbm>>) target(%dma_start3A_207 : memref<125xi32, #tpu.memory_space<vmem>>) target_semaphore(%dma_start3A_204 : memref<!tpu.dma_semaphore, #tpu.memory_space<semaphore_mem>>)
      } else {
      }
    }
    %scan3A_91 = arith.constant 80 : i32
    %dma_wait3A = arith.constant 0 : i32
    %dma_wait3A_92 = arith.constant 0 : i32
    %dma_wait3A_93 = arith.constant 0 : i32
    %dma_wait3A_94 = arith.constant 0 : i32
    %dma_wait3A_95 = arith.constant 0 : i32
    %dma_wait3A_96 = tpu.memref_slice %arg8[%dma_wait3A, %dma_wait3A_94, %dma_wait3A_95] : memref<2x125x128xf32, #tpu.memory_space<vmem>> -> memref<1x125x128xf32, #tpu.memory_space<vmem>>
    %dma_wait3A_97 = tpu.memref_squeeze %dma_wait3A_96 : memref<1x125x128xf32, #tpu.memory_space<vmem>> -> memref<125x128xf32, #tpu.memory_space<vmem>>
    %dma_wait3A_98 = arith.constant 0 : i32
    %dma_wait3A_99 = tpu.memref_slice %arg7[%dma_wait3A_92, %dma_wait3A_98] : memref<3x125xi32, #tpu.memory_space<vmem>> -> memref<1x125xi32, #tpu.memory_space<vmem>>
    %dma_wait3A_100 = tpu.memref_squeeze %dma_wait3A_99 : memref<1x125xi32, #tpu.memory_space<vmem>> -> memref<125xi32, #tpu.memory_space<vmem>>
    %dma_wait3A_101 = arith.constant 0 : i32
    %dma_wait3A_102 = arith.constant 0 : i32
    %dma_wait3A_103 = tpu.memref_slice %arg9[%dma_wait3A_101, %dma_wait3A_102] : memref<10240x128xf32, #tpu.memory_space<vmem_shared>> -> memref<10240x128xf32, #tpu.memory_space<vmem_shared>>
    %dma_wait3A_104 = tpu.memref_slice %arg13[%dma_wait3A_93] : memref<2x!tpu.dma_semaphore, #tpu.memory_space<semaphore_mem>> -> memref<1x!tpu.dma_semaphore, #tpu.memory_space<semaphore_mem>>
    %dma_wait3A_105 = tpu.memref_squeeze %dma_wait3A_104 : memref<1x!tpu.dma_semaphore, #tpu.memory_space<semaphore_mem>> -> memref<!tpu.dma_semaphore, #tpu.memory_space<semaphore_mem>>
    tpu.wait_indirect_dma semaphore(%dma_wait3A_105 : memref<!tpu.dma_semaphore, #tpu.memory_space<semaphore_mem>>) src(%dma_wait3A_97 : memref<125x128xf32, #tpu.memory_space<vmem>>) dst(%dma_wait3A_103 : memref<10240x128xf32, #tpu.memory_space<vmem_shared>>)
    %dma_wait3A_106 = arith.constant 1 : i32
    %dma_wait3A_107 = arith.constant 1 : i32
    %dma_wait3A_108 = arith.constant 1 : i32
    %dma_wait3A_109 = arith.constant 0 : i32
    %dma_wait3A_110 = arith.constant 0 : i32
    %dma_wait3A_111 = tpu.memref_slice %arg8[%dma_wait3A_106, %dma_wait3A_109, %dma_wait3A_110] : memref<2x125x128xf32, #tpu.memory_space<vmem>> -> memref<1x125x128xf32, #tpu.memory_space<vmem>>
    %dma_wait3A_112 = tpu.memref_squeeze %dma_wait3A_111 : memref<1x125x128xf32, #tpu.memory_space<vmem>> -> memref<125x128xf32, #tpu.memory_space<vmem>>
    %dma_wait3A_113 = arith.constant 0 : i32
    %dma_wait3A_114 = tpu.memref_slice %arg7[%dma_wait3A_107, %dma_wait3A_113] : memref<3x125xi32, #tpu.memory_space<vmem>> -> memref<1x125xi32, #tpu.memory_space<vmem>>
    %dma_wait3A_115 = tpu.memref_squeeze %dma_wait3A_114 : memref<1x125xi32, #tpu.memory_space<vmem>> -> memref<125xi32, #tpu.memory_space<vmem>>
    %dma_wait3A_116 = arith.constant 0 : i32
    %dma_wait3A_117 = arith.constant 0 : i32
    %dma_wait3A_118 = tpu.memref_slice %arg9[%dma_wait3A_116, %dma_wait3A_117] : memref<10240x128xf32, #tpu.memory_space<vmem_shared>> -> memref<10240x128xf32, #tpu.memory_space<vmem_shared>>
    %dma_wait3A_119 = tpu.memref_slice %arg13[%dma_wait3A_108] : memref<2x!tpu.dma_semaphore, #tpu.memory_space<semaphore_mem>> -> memref<1x!tpu.dma_semaphore, #tpu.memory_space<semaphore_mem>>
    %dma_wait3A_120 = tpu.memref_squeeze %dma_wait3A_119 : memref<1x!tpu.dma_semaphore, #tpu.memory_space<semaphore_mem>> -> memref<!tpu.dma_semaphore, #tpu.memory_space<semaphore_mem>>
    tpu.wait_indirect_dma semaphore(%dma_wait3A_120 : memref<!tpu.dma_semaphore, #tpu.memory_space<semaphore_mem>>) src(%dma_wait3A_112 : memref<125x128xf32, #tpu.memory_space<vmem>>) dst(%dma_wait3A_118 : memref<10240x128xf32, #tpu.memory_space<vmem_shared>>)
    %barrier3A_121 = arith.constant 0 : index
    tpu.barrier barrier_id(%barrier3A_121)
    %mul3A_122 = arith.constant 640 : i32
    %mul3A_123 = arith.muli %arg1, %mul3A_122 : i32
    %mul3A_124 = arith.constant 640 : i32
    %mul3A_125 = arith.muli %arg1, %mul3A_124 : i32
    "tpu.region"() ({
      %run_scoped3A_126 = tpu.sem_alloc : memref<!tpu.dma_semaphore, #tpu.memory_space<semaphore_mem>>
      %dma_start3A_127 = arith.constant 0 : i32
      %dma_start3A_128 = tpu.memref_slice %arg5[%arg0, %mul3A_125, %dma_start3A_127] : memref<2x10240x128xf32, #tpu.memory_space<hbm>> -> memref<1x640x128xf32, #tpu.memory_space<hbm>>
      %dma_start3A_129 = tpu.memref_squeeze %dma_start3A_128 : memref<1x640x128xf32, #tpu.memory_space<hbm>> -> memref<640x128xf32, #tpu.memory_space<hbm>>
      %dma_start3A_130 = arith.constant 0 : i32
      %dma_start3A_131 = tpu.memref_slice %arg9[%mul3A_123, %dma_start3A_130] : memref<10240x128xf32, #tpu.memory_space<vmem_shared>> -> memref<640x128xf32, #tpu.memory_space<vmem_shared>>
      tpu.enqueue_dma source(%dma_start3A_131 : memref<640x128xf32, #tpu.memory_space<vmem_shared>>) target(%dma_start3A_129 : memref<640x128xf32, #tpu.memory_space<hbm>>) target_semaphore(%run_scoped3A_126 : memref<!tpu.dma_semaphore, #tpu.memory_space<semaphore_mem>>)
      %dma_wait3A_132 = arith.constant 0 : i32
      %dma_wait3A_133 = tpu.memref_slice %arg5[%arg0, %mul3A_125, %dma_wait3A_132] : memref<2x10240x128xf32, #tpu.memory_space<hbm>> -> memref<1x640x128xf32, #tpu.memory_space<hbm>>
      %dma_wait3A_134 = tpu.memref_squeeze %dma_wait3A_133 : memref<1x640x128xf32, #tpu.memory_space<hbm>> -> memref<640x128xf32, #tpu.memory_space<hbm>>
      %dma_wait3A_135 = arith.constant 0 : i32
      %dma_wait3A_136 = tpu.memref_slice %arg9[%mul3A_123, %dma_wait3A_135] : memref<10240x128xf32, #tpu.memory_space<vmem_shared>> -> memref<640x128xf32, #tpu.memory_space<vmem_shared>>
      tpu.wait_dma2 semaphore(%run_scoped3A_126 : memref<!tpu.dma_semaphore, #tpu.memory_space<semaphore_mem>>) src(%dma_wait3A_136 : memref<640x128xf32, #tpu.memory_space<vmem_shared>>) dst(%dma_wait3A_134 : memref<640x128xf32, #tpu.memory_space<hbm>>)
      tpu.yield
    }) : () -> ()
    return
  }
}

module attributes {stable_mosaic.version = 14 : i64} {
  func.func @_vn_add_body(%arg0: i32, %arg1: memref<5000x128xf32, #tpu.memory_space<vmem>>, %arg2: memref<1x128xf32, #tpu.memory_space<vmem>>, %arg3: memref<5000x128xf32, #tpu.memory_space<vmem>>) attributes {dimension_semantics = [#tpu.dimension_semantics<arbitrary>], iteration_bounds = array<i64: 2>, scalar_prefetch = 0 : i64, scratch_operands = 0 : i64, tpu.core_type = #tpu.core_type<tc>, window_params = [{transform_indices = @transform_0, window_bounds = array<i64: 5000, 128>}, {pipeline_mode = #tpu.pipeline_mode<synchronous>, transform_indices = @transform_1, window_bounds = array<i64: 1, 128>}, {transform_indices = @transform_2, window_bounds = array<i64: 5000, 128>}]} {
    %get3A = arith.constant 0 : index
    %get3A_0 = arith.constant 0 : index
    %get3A_1 = vector.load %arg1[%get3A, %get3A_0] : memref<5000x128xf32, #tpu.memory_space<vmem>>, vector<5000x128xf32>
    %get3A_2 = arith.constant 0 : index
    %get3A_3 = arith.constant 0 : index
    %get3A_4 = vector.load %arg2[%get3A_2, %get3A_3] : memref<1x128xf32, #tpu.memory_space<vmem>>, vector<1x128xf32>
    %add3A = vector.broadcast %get3A_4 : vector<1x128xf32> to vector<5000x128xf32>
    %add3A_5 = arith.addf %get3A_1, %add3A : vector<5000x128xf32>
    %swap3A = arith.constant 0 : index
    %swap3A_6 = arith.constant 0 : index
    %swap3A_7 = vector.load %arg3[%swap3A, %swap3A_6] : memref<5000x128xf32, #tpu.memory_space<vmem>>, vector<5000x128xf32>
    tpu.vector_store %arg3[%swap3A, %swap3A_6], %add3A_5 {strides = array<i32>} : memref<5000x128xf32, #tpu.memory_space<vmem>>, vector<5000x128xf32>,
    return
  }
  func.func @transform_0(%arg0: i32) -> (i32, i32) {
    %c0_i32 = arith.constant 0 : i32
    %c0_i32_0 = arith.constant 0 : i32
    return %arg0, %c0_i32 : i32, i32
  }
  func.func @transform_1(%arg0: i32) -> (i32, i32) {
    %c0_i32 = arith.constant 0 : i32
    %c0_i32_0 = arith.constant 0 : i32
    %c0_i32_1 = arith.constant 0 : i32
    return %c0_i32, %c0_i32_0 : i32, i32
  }
  func.func @transform_2(%arg0: i32) -> (i32, i32) {
    %c0_i32 = arith.constant 0 : i32
    %c0_i32_0 = arith.constant 0 : i32
    return %arg0, %c0_i32 : i32, i32
  }
}

module attributes {stable_mosaic.version = 14 : i64} {
  func.func @_tc_body(%arg0: i32, %arg1: memref<2x5000x128xf32, #tpu.memory_space<vmem>>, %arg2: memref<128x128xf32, #tpu.memory_space<vmem>>, %arg3: memref<1x128xf32, #tpu.memory_space<vmem>>, %arg4: memref<1x1x5000xi32, #tpu.memory_space<vmem>>, %arg5: memref<1x128xf32, #tpu.memory_space<vmem>>, %arg6: memref<128x128xf32, #tpu.memory_space<vmem>>, %arg7: memref<1x128xf32, #tpu.memory_space<vmem>>, %arg8: memref<1x128xf32, #tpu.memory_space<vmem>>, %arg9: memref<1x128xf32, #tpu.memory_space<vmem>>, %arg10: memref<128x128xf32, #tpu.memory_space<vmem>>, %arg11: memref<1x128xf32, #tpu.memory_space<vmem>>, %arg12: memref<1x128xf32, #tpu.memory_space<vmem>>, %arg13: memref<1x128xf32, #tpu.memory_space<vmem>>, %arg14: memref<128x128xf32, #tpu.memory_space<vmem>>, %arg15: memref<1x128xf32, #tpu.memory_space<vmem>>, %arg16: memref<1x128xf32, #tpu.memory_space<vmem>>, %arg17: memref<1x128xf32, #tpu.memory_space<vmem>>, %arg18: memref<5000x128xf32, #tpu.memory_space<vmem>>, %arg19: memref<16x128xf32, #tpu.memory_space<vmem>>, %arg20: memref<2x5000x128xf32, #tpu.memory_space<vmem>>, %arg21: memref<1x128xf32, #tpu.memory_space<vmem>>, %arg22: memref<1x128xf32, #tpu.memory_space<vmem>>, %arg23: memref<16x128xf32, #tpu.memory_space<vmem>>, %arg24: memref<16x128xf32, #tpu.memory_space<vmem>>, %arg25: memref<1x128xf32, #tpu.memory_space<vmem>>, %arg26: memref<1x128xf32, #tpu.memory_space<vmem>>) attributes {dimension_semantics = [#tpu.dimension_semantics<arbitrary>], iteration_bounds = array<i64: 4>, scalar_prefetch = 0 : i64, scratch_operands = 7 : i64, tpu.core_type = #tpu.core_type<tc>, window_params = [{transform_indices = @transform_0, window_bounds = array<i64: 2, 5000, 128>}, {pipeline_mode = #tpu.pipeline_mode<synchronous>, transform_indices = @transform_1, window_bounds = array<i64: 128, 128>}, {pipeline_mode = #tpu.pipeline_mode<synchronous>, transform_indices = @transform_2, window_bounds = array<i64: 1, 128>}, {transform_indices = @transform_3, window_bounds = array<i64: 1, 1, 5000>}, {pipeline_mode = #tpu.pipeline_mode<synchronous>, transform_indices = @transform_4, window_bounds = array<i64: 1, 128>}, {pipeline_mode = #tpu.pipeline_mode<synchronous>, transform_indices = @transform_5, window_bounds = array<i64: 128, 128>}, {pipeline_mode = #tpu.pipeline_mode<synchronous>, transform_indices = @transform_6, window_bounds = array<i64: 1, 128>}, {pipeline_mode = #tpu.pipeline_mode<synchronous>, transform_indices = @transform_7, window_bounds = array<i64: 1, 128>}, {pipeline_mode = #tpu.pipeline_mode<synchronous>, transform_indices = @transform_8, window_bounds = array<i64: 1, 128>}, {pipeline_mode = #tpu.pipeline_mode<synchronous>, transform_indices = @transform_9, window_bounds = array<i64: 128, 128>}, {pipeline_mode = #tpu.pipeline_mode<synchronous>, transform_indices = @transform_10, window_bounds = array<i64: 1, 128>}, {pipeline_mode = #tpu.pipeline_mode<synchronous>, transform_indices = @transform_11, window_bounds = array<i64: 1, 128>}, {pipeline_mode = #tpu.pipeline_mode<synchronous>, transform_indices = @transform_12, window_bounds = array<i64: 1, 128>}, {pipeline_mode = #tpu.pipeline_mode<synchronous>, transform_indices = @transform_13, window_bounds = array<i64: 128, 128>}, {pipeline_mode = #tpu.pipeline_mode<synchronous>, transform_indices = @transform_14, window_bounds = array<i64: 1, 128>}, {pipeline_mode = #tpu.pipeline_mode<synchronous>, transform_indices = @transform_15, window_bounds = array<i64: 1, 128>}, {pipeline_mode = #tpu.pipeline_mode<synchronous>, transform_indices = @transform_16, window_bounds = array<i64: 1, 128>}, {transform_indices = @transform_17, window_bounds = array<i64: 5000, 128>}, {pipeline_mode = #tpu.pipeline_mode<synchronous>, transform_indices = @transform_18, window_bounds = array<i64: 16, 128>}]} {
    %jit3A = arith.constant 2 : i32
    %div3A = arith.divsi %arg0, %jit3A : i32
    %sign3A = arith.constant 0 : i32
    %sign3A_0 = arith.cmpi sgt, %arg0, %sign3A : i32
    %sign3A_1 = arith.extui %sign3A_0 : i1 to i32
    %sign3A_2 = arith.constant 0 : i32
    %sign3A_3 = arith.cmpi slt, %arg0, %sign3A_2 : i32
    %sign3A_4 = arith.extui %sign3A_3 : i1 to i32
    %sign3A_5 = arith.subi %sign3A_1, %sign3A_4 : i32
    %sign3A_6 = arith.constant 0 : i32
    %sign3A_7 = arith.cmpi sgt, %jit3A, %sign3A_6 : i32
    %sign3A_8 = arith.extui %sign3A_7 : i1 to i32
    %sign3A_9 = arith.constant 0 : i32
    %sign3A_10 = arith.cmpi slt, %jit3A, %sign3A_9 : i32
    %sign3A_11 = arith.extui %sign3A_10 : i1 to i32
    %sign3A_12 = arith.subi %sign3A_8, %sign3A_11 : i32
    %ne3A = arith.cmpi ne, %sign3A_5, %sign3A_12 : i32
    %rem3A = arith.remsi %arg0, %jit3A : i32
    %ne3A_13 = arith.constant 0 : i32
    %ne3A_14 = arith.cmpi ne, %rem3A, %ne3A_13 : i32
    %and3A = arith.andi %ne3A, %ne3A_14 : i1
    %sub3A = arith.constant 1 : i32
    %sub3A_15 = arith.subi %div3A, %sub3A : i32
    %select_n3A = arith.select %and3A, %sub3A_15, %div3A : i32
    %rem3A_16 = arith.constant 2 : i32
    %rem3A_17 = arith.remsi %arg0, %rem3A_16 : i32
    %eq3A = arith.constant 0 : i32
    %eq3A_18 = arith.cmpi eq, %select_n3A, %eq3A : i32
    %convert_element_type3A = arith.extui %eq3A_18 : i1 to i32
    %cond3A = arith.constant 0 : i32
    %cond3A_19 = arith.cmpi ne, %convert_element_type3A, %cond3A : i32
    scf.if %cond3A_19 {
      %get3A = arith.constant 0 : index
      %get3A_33 = arith.constant 0 : index
      %get3A_34 = arith.constant 0 : index
      %get3A_35 = vector.load %arg1[%get3A, %get3A_33, %get3A_34] : memref<2x5000x128xf32, #tpu.memory_space<vmem>>, vector<1x5000x128xf32>
      %get3A_36 = vector.shape_cast %get3A_35 : vector<1x5000x128xf32> to vector<5000x128xf32>
      %get3A_37 = arith.constant 0 : index
      %get3A_38 = arith.constant 0 : index
      %get3A_39 = vector.load %arg2[%get3A_37, %get3A_38] : memref<128x128xf32, #tpu.memory_space<vmem>>, vector<128x128xf32>
      %dot_general3A = arith.constant dense<0.000000e+00> : vector<5000x128xf32>
      %dot_general3A_40 = tpu.matmul %get3A_36, %get3A_39, %dot_general3A {dimension_numbers = #tpu.dot_dimension_numbers<[1], [0], [0], [1], [0, 0, 1, 1], [], []>, transpose_lhs_hint = false} : vector<5000x128xf32>, vector<128x128xf32>, vector<5000x128xf32> -> vector<5000x128xf32>
      %get3A_41 = arith.constant 1 : index
      %get3A_42 = arith.constant 0 : index
      %get3A_43 = arith.constant 0 : index
      %get3A_44 = vector.load %arg1[%get3A_41, %get3A_42, %get3A_43] : memref<2x5000x128xf32, #tpu.memory_space<vmem>>, vector<1x5000x128xf32>
      %get3A_45 = vector.shape_cast %get3A_44 : vector<1x5000x128xf32> to vector<5000x128xf32>
      %get3A_46 = arith.constant 0 : index
      %get3A_47 = arith.constant 0 : index
      %get3A_48 = vector.load %arg2[%get3A_46, %get3A_47] : memref<128x128xf32, #tpu.memory_space<vmem>>, vector<128x128xf32>
      %dot_general3A_49 = arith.constant dense<0.000000e+00> : vector<5000x128xf32>
      %dot_general3A_50 = tpu.matmul %get3A_45, %get3A_48, %dot_general3A_49 {dimension_numbers = #tpu.dot_dimension_numbers<[1], [0], [0], [1], [0, 0, 1, 1], [], []>, transpose_lhs_hint = false} : vector<5000x128xf32>, vector<128x128xf32>, vector<5000x128xf32> -> vector<5000x128xf32>
      %add3A = arith.addf %dot_general3A_40, %dot_general3A_50 : vector<5000x128xf32>
      %get3A_51 = arith.constant 0 : index
      %get3A_52 = arith.constant 0 : index
      %get3A_53 = vector.load %arg3[%get3A_51, %get3A_52] : memref<1x128xf32, #tpu.memory_space<vmem>>, vector<1x128xf32>
      %add3A_54 = vector.broadcast %get3A_53 : vector<1x128xf32> to vector<5000x128xf32>
      %add3A_55 = arith.addf %add3A, %add3A_54 : vector<5000x128xf32>
      %swap3A = arith.index_cast %rem3A_17 : i32 to index
      %swap3A_56 = arith.constant 0 : index
      %swap3A_57 = arith.constant 0 : index
      %swap3A_58 = vector.load %arg20[%swap3A, %swap3A_56, %swap3A_57] : memref<2x5000x128xf32, #tpu.memory_space<vmem>>, vector<1x5000x128xf32>
      %swap3A_59 = vector.shape_cast %swap3A_58 : vector<1x5000x128xf32> to vector<5000x128xf32>
      %swap3A_60 = vector.shape_cast %add3A_55 : vector<5000x128xf32> to vector<1x5000x128xf32>
      tpu.vector_store %arg20[%swap3A, %swap3A_56, %swap3A_57], %swap3A_60 {strides = array<i32>} : memref<2x5000x128xf32, #tpu.memory_space<vmem>>, vector<1x5000x128xf32>,
      %get3A_61 = arith.constant 0 : index
      %get3A_62 = arith.constant 0 : index
      %get3A_63 = arith.constant 0 : index
      %get3A_64 = vector.load %arg4[%get3A_61, %get3A_62, %get3A_63] : memref<1x1x5000xi32, #tpu.memory_space<vmem>>, vector<1x1x5000xi32>
      %get3A_65 = vector.shape_cast %get3A_64 : vector<1x1x5000xi32> to vector<1x5000xi32>
      %iota3A = tpu.iota {dimensions = array<i32: 0>} : vector<16x5000xi32>
      %eq3A_66 = vector.broadcast %get3A_65 : vector<1x5000xi32> to vector<16x5000xi32>
      %eq3A_67 = arith.cmpi eq, %iota3A, %eq3A_66 : vector<16x5000xi32>
      %convert_element_type3A_68 = arith.extui %eq3A_67 : vector<16x5000xi1> to vector<16x5000xi32>
      %convert_element_type3A_69 = arith.sitofp %convert_element_type3A_68 : vector<16x5000xi32> to vector<16x5000xf32>
      %dot_general3A_70 = arith.constant dense<0.000000e+00> : vector<16x128xf32>
      %dot_general3A_71 = tpu.matmul %convert_element_type3A_69, %add3A_55, %dot_general3A_70 {dimension_numbers = #tpu.dot_dimension_numbers<[1], [0], [0], [1], [0, 0, 1, 1], [], []>, transpose_lhs_hint = false} : vector<16x5000xf32>, vector<5000x128xf32>, vector<16x128xf32> -> vector<16x128xf32>
      %reduce_sum3A = arith.constant dense<0.000000e+00> : vector<16xf32>
      %reduce_sum3A_72 = vector.multi_reduction <add>, %convert_element_type3A_69, %reduce_sum3A [1] : vector<16x5000xf32> to vector<16xf32>
      %broadcast_in_dim3A = vector.shape_cast %reduce_sum3A_72 : vector<16xf32> to vector<16x1xf32>
      %broadcast_in_dim3A_73 = arith.constant 1.000000e+00 : f32
      %broadcast_in_dim3A_74 = vector.broadcast %broadcast_in_dim3A_73 : f32 to vector<1x128xf32>
      %mul3A = vector.broadcast %broadcast_in_dim3A : vector<16x1xf32> to vector<16x128xf32>
      %mul3A_75 = vector.broadcast %broadcast_in_dim3A_74 : vector<1x128xf32> to vector<16x128xf32>
      %mul3A_76 = arith.mulf %mul3A, %mul3A_75 : vector<16x128xf32>
      %reduce_sum3A_77 = arith.constant dense<0.000000e+00> : vector<128xf32>
      %reduce_sum3A_78 = vector.multi_reduction <add>, %add3A_55, %reduce_sum3A_77 [0] : vector<5000x128xf32> to vector<128xf32>
      %broadcast_in_dim3A_79 = vector.shape_cast %reduce_sum3A_78 : vector<128xf32> to vector<1x128xf32>
      %mul3A_80 = arith.mulf %add3A_55, %add3A_55 : vector<5000x128xf32>
      %reduce_sum3A_81 = arith.constant dense<0.000000e+00> : vector<128xf32>
      %reduce_sum3A_82 = vector.multi_reduction <add>, %mul3A_80, %reduce_sum3A_81 [0] : vector<5000x128xf32> to vector<128xf32>
      %broadcast_in_dim3A_83 = vector.shape_cast %reduce_sum3A_82 : vector<128xf32> to vector<1x128xf32>
      %eq3A_84 = arith.constant 0 : i32
      %eq3A_85 = arith.cmpi eq, %rem3A_17, %eq3A_84 : i32
      %convert_element_type3A_86 = arith.extui %eq3A_85 : i1 to i32
      %cond3A_87 = arith.constant 0 : i32
      %cond3A_88 = arith.cmpi ne, %convert_element_type3A_86, %cond3A_87 : i32
      scf.if %cond3A_88 {
        %swap3A_94 = arith.constant 0 : index
        %swap3A_95 = arith.constant 0 : index
        %swap3A_96 = vector.load %arg21[%swap3A_94, %swap3A_95] : memref<1x128xf32, #tpu.memory_space<vmem>>, vector<1x128xf32>
        tpu.vector_store %arg21[%swap3A_94, %swap3A_95], %broadcast_in_dim3A_79 {strides = array<i32>} : memref<1x128xf32, #tpu.memory_space<vmem>>, vector<1x128xf32>,
        %swap3A_97 = arith.constant 0 : index
        %swap3A_98 = arith.constant 0 : index
        %swap3A_99 = vector.load %arg22[%swap3A_97, %swap3A_98] : memref<1x128xf32, #tpu.memory_space<vmem>>, vector<1x128xf32>
        tpu.vector_store %arg22[%swap3A_97, %swap3A_98], %broadcast_in_dim3A_83 {strides = array<i32>} : memref<1x128xf32, #tpu.memory_space<vmem>>, vector<1x128xf32>,
        %swap3A_100 = arith.constant 0 : index
        %swap3A_101 = arith.constant 0 : index
        %swap3A_102 = vector.load %arg23[%swap3A_100, %swap3A_101] : memref<16x128xf32, #tpu.memory_space<vmem>>, vector<16x128xf32>
        tpu.vector_store %arg23[%swap3A_100, %swap3A_101], %dot_general3A_71 {strides = array<i32>} : memref<16x128xf32, #tpu.memory_space<vmem>>, vector<16x128xf32>,
        %swap3A_103 = arith.constant 0 : index
        %swap3A_104 = arith.constant 0 : index
        %swap3A_105 = vector.load %arg24[%swap3A_103, %swap3A_104] : memref<16x128xf32, #tpu.memory_space<vmem>>, vector<16x128xf32>
        tpu.vector_store %arg24[%swap3A_103, %swap3A_104], %mul3A_76 {strides = array<i32>} : memref<16x128xf32, #tpu.memory_space<vmem>>, vector<16x128xf32>,
      } else {
      }
      %ne3A_89 = arith.constant 0 : i32
      %ne3A_90 = arith.cmpi ne, %rem3A_17, %ne3A_89 : i32
      %convert_element_type3A_91 = arith.extui %ne3A_90 : i1 to i32
      %cond3A_92 = arith.constant 0 : i32
      %cond3A_93 = arith.cmpi ne, %convert_element_type3A_91, %cond3A_92 : i32
      scf.if %cond3A_93 {
        %get3A_94 = arith.constant 0 : index
        %get3A_95 = arith.constant 0 : index
        %get3A_96 = vector.load %arg21[%get3A_94, %get3A_95] : memref<1x128xf32, #tpu.memory_space<vmem>>, vector<1x128xf32>
        %add3A_97 = arith.addf %get3A_96, %broadcast_in_dim3A_79 : vector<1x128xf32>
        %swap3A_98 = arith.constant 0 : index
        %swap3A_99 = arith.constant 0 : index
        %swap3A_100 = vector.load %arg21[%swap3A_98, %swap3A_99] : memref<1x128xf32, #tpu.memory_space<vmem>>, vector<1x128xf32>
        tpu.vector_store %arg21[%swap3A_98, %swap3A_99], %add3A_97 {strides = array<i32>} : memref<1x128xf32, #tpu.memory_space<vmem>>, vector<1x128xf32>,
        %get3A_101 = arith.constant 0 : index
        %get3A_102 = arith.constant 0 : index
        %get3A_103 = vector.load %arg22[%get3A_101, %get3A_102] : memref<1x128xf32, #tpu.memory_space<vmem>>, vector<1x128xf32>
        %add3A_104 = arith.addf %get3A_103, %broadcast_in_dim3A_83 : vector<1x128xf32>
        %swap3A_105 = arith.constant 0 : index
        %swap3A_106 = arith.constant 0 : index
        %swap3A_107 = vector.load %arg22[%swap3A_105, %swap3A_106] : memref<1x128xf32, #tpu.memory_space<vmem>>, vector<1x128xf32>
        tpu.vector_store %arg22[%swap3A_105, %swap3A_106], %add3A_104 {strides = array<i32>} : memref<1x128xf32, #tpu.memory_space<vmem>>, vector<1x128xf32>,
        %get3A_108 = arith.constant 0 : index
        %get3A_109 = arith.constant 0 : index
        %get3A_110 = vector.load %arg23[%get3A_108, %get3A_109] : memref<16x128xf32, #tpu.memory_space<vmem>>, vector<16x128xf32>
        %add3A_111 = arith.addf %get3A_110, %dot_general3A_71 : vector<16x128xf32>
        %swap3A_112 = arith.constant 0 : index
        %swap3A_113 = arith.constant 0 : index
        %swap3A_114 = vector.load %arg23[%swap3A_112, %swap3A_113] : memref<16x128xf32, #tpu.memory_space<vmem>>, vector<16x128xf32>
        tpu.vector_store %arg23[%swap3A_112, %swap3A_113], %add3A_111 {strides = array<i32>} : memref<16x128xf32, #tpu.memory_space<vmem>>, vector<16x128xf32>,
        %get3A_115 = arith.constant 0 : index
        %get3A_116 = arith.constant 0 : index
        %get3A_117 = vector.load %arg24[%get3A_115, %get3A_116] : memref<16x128xf32, #tpu.memory_space<vmem>>, vector<16x128xf32>
        %add3A_118 = arith.addf %get3A_117, %mul3A_76 : vector<16x128xf32>
        %swap3A_119 = arith.constant 0 : index
        %swap3A_120 = arith.constant 0 : index
        %swap3A_121 = vector.load %arg24[%swap3A_119, %swap3A_120] : memref<16x128xf32, #tpu.memory_space<vmem>>, vector<16x128xf32>
        tpu.vector_store %arg24[%swap3A_119, %swap3A_120], %add3A_118 {strides = array<i32>} : memref<16x128xf32, #tpu.memory_space<vmem>>, vector<16x128xf32>,
      } else {
      }
    } else {
    }
    %eq3A_20 = arith.constant 1 : i32
    %eq3A_21 = arith.cmpi eq, %select_n3A, %eq3A_20 : i32
    %eq3A_22 = arith.constant 0 : i32
    %eq3A_23 = arith.cmpi eq, %rem3A_17, %eq3A_22 : i32
    %and3A_24 = arith.andi %eq3A_21, %eq3A_23 : i1
    %convert_element_type3A_25 = arith.extui %and3A_24 : i1 to i32
    %cond3A_26 = arith.constant 0 : i32
    %cond3A_27 = arith.cmpi ne, %convert_element_type3A_25, %cond3A_26 : i32
    scf.if %cond3A_27 {
      %get3A = arith.constant 0 : index
      %get3A_33 = arith.constant 0 : index
      %get3A_34 = vector.load %arg21[%get3A, %get3A_33] : memref<1x128xf32, #tpu.memory_space<vmem>>, vector<1x128xf32>
      %mul3A = arith.constant 9.99999974E-5 : f32
      %mul3A_35 = vector.broadcast %mul3A : f32 to vector<1x128xf32>
      %mul3A_36 = arith.mulf %get3A_34, %mul3A_35 : vector<1x128xf32>
      %get3A_37 = arith.constant 0 : index
      %get3A_38 = arith.constant 0 : index
      %get3A_39 = vector.load %arg22[%get3A_37, %get3A_38] : memref<1x128xf32, #tpu.memory_space<vmem>>, vector<1x128xf32>
      %mul3A_40 = arith.constant 9.99999974E-5 : f32
      %mul3A_41 = vector.broadcast %mul3A_40 : f32 to vector<1x128xf32>
      %mul3A_42 = arith.mulf %get3A_39, %mul3A_41 : vector<1x128xf32>
      %mul3A_43 = arith.mulf %mul3A_36, %mul3A_36 : vector<1x128xf32>
      %sub3A_44 = arith.subf %mul3A_42, %mul3A_43 : vector<1x128xf32>
      %add3A = arith.constant 9.99999974E-6 : f32
      %add3A_45 = vector.broadcast %add3A : f32 to vector<1x128xf32>
      %add3A_46 = arith.addf %sub3A_44, %add3A_45 : vector<1x128xf32>
      %rsqrt3A = math.rsqrt %add3A_46 : vector<1x128xf32>
      %get3A_47 = arith.constant 0 : index
      %get3A_48 = arith.constant 0 : index
      %get3A_49 = vector.load %arg8[%get3A_47, %get3A_48] : memref<1x128xf32, #tpu.memory_space<vmem>>, vector<1x128xf32>
      %mul3A_50 = arith.mulf %rsqrt3A, %get3A_49 : vector<1x128xf32>
      %get3A_51 = arith.constant 0 : index
      %get3A_52 = arith.constant 0 : index
      %get3A_53 = vector.load %arg9[%get3A_51, %get3A_52] : memref<1x128xf32, #tpu.memory_space<vmem>>, vector<1x128xf32>
      %mul3A_54 = arith.mulf %mul3A_36, %mul3A_50 : vector<1x128xf32>
      %sub3A_55 = arith.subf %get3A_53, %mul3A_54 : vector<1x128xf32>
      %swap3A = arith.constant 0 : index
      %swap3A_56 = arith.constant 0 : index
      %swap3A_57 = vector.load %arg25[%swap3A, %swap3A_56] : memref<1x128xf32, #tpu.memory_space<vmem>>, vector<1x128xf32>
      tpu.vector_store %arg25[%swap3A, %swap3A_56], %mul3A_50 {strides = array<i32>} : memref<1x128xf32, #tpu.memory_space<vmem>>, vector<1x128xf32>,
      %swap3A_58 = arith.constant 0 : index
      %swap3A_59 = arith.constant 0 : index
      %swap3A_60 = vector.load %arg26[%swap3A_58, %swap3A_59] : memref<1x128xf32, #tpu.memory_space<vmem>>, vector<1x128xf32>
      tpu.vector_store %arg26[%swap3A_58, %swap3A_59], %sub3A_55 {strides = array<i32>} : memref<1x128xf32, #tpu.memory_space<vmem>>, vector<1x128xf32>,
      %get3A_61 = arith.constant 0 : index
      %get3A_62 = arith.constant 0 : index
      %get3A_63 = vector.load %arg24[%get3A_61, %get3A_62] : memref<16x128xf32, #tpu.memory_space<vmem>>, vector<16x1xf32>
      %get3A_64 = arith.constant 0 : index
      %get3A_65 = arith.constant 0 : index
      %get3A_66 = vector.load %arg23[%get3A_64, %get3A_65] : memref<16x128xf32, #tpu.memory_space<vmem>>, vector<16x128xf32>
      %mul3A_67 = vector.broadcast %mul3A_50 : vector<1x128xf32> to vector<16x128xf32>
      %mul3A_68 = arith.mulf %get3A_66, %mul3A_67 : vector<16x128xf32>
      %mul3A_69 = vector.broadcast %get3A_63 : vector<16x1xf32> to vector<16x128xf32>
      %mul3A_70 = vector.broadcast %sub3A_55 : vector<1x128xf32> to vector<16x128xf32>
      %mul3A_71 = arith.mulf %mul3A_69, %mul3A_70 : vector<16x128xf32>
      %add3A_72 = arith.addf %mul3A_68, %mul3A_71 : vector<16x128xf32>
      %get3A_73 = arith.constant 0 : index
      %get3A_74 = arith.constant 0 : index
      %get3A_75 = vector.load %arg5[%get3A_73, %get3A_74] : memref<1x128xf32, #tpu.memory_space<vmem>>, vector<1x128xf32>
      %get3A_76 = arith.constant 0 : index
      %get3A_77 = arith.constant 0 : index
      %get3A_78 = vector.load %arg6[%get3A_76, %get3A_77] : memref<128x128xf32, #tpu.memory_space<vmem>>, vector<128x128xf32>
      %dot_general3A = arith.constant dense<0.000000e+00> : vector<1x128xf32>
      %dot_general3A_79 = tpu.matmul %get3A_75, %get3A_78, %dot_general3A {dimension_numbers = #tpu.dot_dimension_numbers<[1], [0], [0], [1], [0, 0, 1, 1], [], []>, transpose_lhs_hint = false} : vector<1x128xf32>, vector<128x128xf32>, vector<1x128xf32> -> vector<1x128xf32>
      %get3A_80 = arith.constant 0 : index
      %get3A_81 = arith.constant 0 : index
      %get3A_82 = vector.load %arg7[%get3A_80, %get3A_81] : memref<1x128xf32, #tpu.memory_space<vmem>>, vector<1x128xf32>
      %add3A_83 = arith.addf %dot_general3A_79, %get3A_82 : vector<1x128xf32>
      %add3A_84 = vector.broadcast %add3A_83 : vector<1x128xf32> to vector<16x128xf32>
      %add3A_85 = arith.addf %add3A_72, %add3A_84 : vector<16x128xf32>
      %get3A_86 = arith.constant 0 : index
      %get3A_87 = arith.constant 0 : index
      %get3A_88 = vector.load %arg10[%get3A_86, %get3A_87] : memref<128x128xf32, #tpu.memory_space<vmem>>, vector<128x128xf32>
      %dot_general3A_89 = arith.constant dense<0.000000e+00> : vector<16x128xf32>
      %dot_general3A_90 = tpu.matmul %add3A_85, %get3A_88, %dot_general3A_89 {dimension_numbers = #tpu.dot_dimension_numbers<[1], [0], [0], [1], [0, 0, 1, 1], [], []>, transpose_lhs_hint = false} : vector<16x128xf32>, vector<128x128xf32>, vector<16x128xf32> -> vector<16x128xf32>
      %get3A_91 = arith.constant 0 : index
      %get3A_92 = arith.constant 0 : index
      %get3A_93 = vector.load %arg11[%get3A_91, %get3A_92] : memref<1x128xf32, #tpu.memory_space<vmem>>, vector<1x128xf32>
      %add3A_94 = vector.broadcast %get3A_93 : vector<1x128xf32> to vector<16x128xf32>
      %add3A_95 = arith.addf %dot_general3A_90, %add3A_94 : vector<16x128xf32>
      %reduce_sum3A = arith.constant dense<0.000000e+00> : vector<128xf32>
      %reduce_sum3A_96 = vector.multi_reduction <add>, %add3A_95, %reduce_sum3A [0] : vector<16x128xf32> to vector<128xf32>
      %broadcast_in_dim3A = vector.shape_cast %reduce_sum3A_96 : vector<128xf32> to vector<1x128xf32>
      %div3A_97 = arith.constant 1.600000e+01 : f32
      %div3A_98 = vector.broadcast %div3A_97 : f32 to vector<1x128xf32>
      %div3A_99 = arith.divf %broadcast_in_dim3A, %div3A_98 : vector<1x128xf32>
      %sub3A_100 = vector.broadcast %div3A_99 : vector<1x128xf32> to vector<16x128xf32>
      %sub3A_101 = arith.subf %add3A_95, %sub3A_100 : vector<16x128xf32>
      %sub3A_102 = vector.broadcast %div3A_99 : vector<1x128xf32> to vector<16x128xf32>
      %sub3A_103 = arith.subf %add3A_95, %sub3A_102 : vector<16x128xf32>
      %mul3A_104 = arith.mulf %sub3A_101, %sub3A_103 : vector<16x128xf32>
      %reduce_sum3A_105 = arith.constant dense<0.000000e+00> : vector<128xf32>
      %reduce_sum3A_106 = vector.multi_reduction <add>, %mul3A_104, %reduce_sum3A_105 [0] : vector<16x128xf32> to vector<128xf32>
      %broadcast_in_dim3A_107 = vector.shape_cast %reduce_sum3A_106 : vector<128xf32> to vector<1x128xf32>
      %div3A_108 = arith.constant 1.600000e+01 : f32
      %div3A_109 = vector.broadcast %div3A_108 : f32 to vector<1x128xf32>
      %div3A_110 = arith.divf %broadcast_in_dim3A_107, %div3A_109 : vector<1x128xf32>
      %sub3A_111 = vector.broadcast %div3A_99 : vector<1x128xf32> to vector<16x128xf32>
      %sub3A_112 = arith.subf %add3A_95, %sub3A_111 : vector<16x128xf32>
      %add3A_113 = arith.constant 9.99999974E-6 : f32
      %add3A_114 = vector.broadcast %add3A_113 : f32 to vector<1x128xf32>
      %add3A_115 = arith.addf %div3A_110, %add3A_114 : vector<1x128xf32>
      %rsqrt3A_116 = math.rsqrt %add3A_115 : vector<1x128xf32>
      %mul3A_117 = vector.broadcast %rsqrt3A_116 : vector<1x128xf32> to vector<16x128xf32>
      %mul3A_118 = arith.mulf %sub3A_112, %mul3A_117 : vector<16x128xf32>
      %get3A_119 = arith.constant 0 : index
      %get3A_120 = arith.constant 0 : index
      %get3A_121 = vector.load %arg12[%get3A_119, %get3A_120] : memref<1x128xf32, #tpu.memory_space<vmem>>, vector<1x128xf32>
      %mul3A_122 = vector.broadcast %get3A_121 : vector<1x128xf32> to vector<16x128xf32>
      %mul3A_123 = arith.mulf %mul3A_118, %mul3A_122 : vector<16x128xf32>
      %get3A_124 = arith.constant 0 : index
      %get3A_125 = arith.constant 0 : index
      %get3A_126 = vector.load %arg13[%get3A_124, %get3A_125] : memref<1x128xf32, #tpu.memory_space<vmem>>, vector<1x128xf32>
      %add3A_127 = vector.broadcast %get3A_126 : vector<1x128xf32> to vector<16x128xf32>
      %add3A_128 = arith.addf %mul3A_123, %add3A_127 : vector<16x128xf32>
      %max3A = arith.constant 0.000000e+00 : f32
      %max3A_129 = vector.broadcast %max3A : f32 to vector<16x128xf32>
      %max3A_130 = arith.maximumf %add3A_128, %max3A_129 : vector<16x128xf32>
      %get3A_131 = arith.constant 0 : index
      %get3A_132 = arith.constant 0 : index
      %get3A_133 = vector.load %arg14[%get3A_131, %get3A_132] : memref<128x128xf32, #tpu.memory_space<vmem>>, vector<128x128xf32>
      %dot_general3A_134 = arith.constant dense<0.000000e+00> : vector<16x128xf32>
      %dot_general3A_135 = tpu.matmul %max3A_130, %get3A_133, %dot_general3A_134 {dimension_numbers = #tpu.dot_dimension_numbers<[1], [0], [0], [1], [0, 0, 1, 1], [], []>, transpose_lhs_hint = false} : vector<16x128xf32>, vector<128x128xf32>, vector<16x128xf32> -> vector<16x128xf32>
      %get3A_136 = arith.constant 0 : index
      %get3A_137 = arith.constant 0 : index
      %get3A_138 = vector.load %arg15[%get3A_136, %get3A_137] : memref<1x128xf32, #tpu.memory_space<vmem>>, vector<1x128xf32>
      %add3A_139 = vector.broadcast %get3A_138 : vector<1x128xf32> to vector<16x128xf32>
      %add3A_140 = arith.addf %dot_general3A_135, %add3A_139 : vector<16x128xf32>
      %reduce_sum3A_141 = arith.constant dense<0.000000e+00> : vector<128xf32>
      %reduce_sum3A_142 = vector.multi_reduction <add>, %add3A_140, %reduce_sum3A_141 [0] : vector<16x128xf32> to vector<128xf32>
      %broadcast_in_dim3A_143 = vector.shape_cast %reduce_sum3A_142 : vector<128xf32> to vector<1x128xf32>
      %div3A_144 = arith.constant 1.600000e+01 : f32
      %div3A_145 = vector.broadcast %div3A_144 : f32 to vector<1x128xf32>
      %div3A_146 = arith.divf %broadcast_in_dim3A_143, %div3A_145 : vector<1x128xf32>
      %sub3A_147 = vector.broadcast %div3A_146 : vector<1x128xf32> to vector<16x128xf32>
      %sub3A_148 = arith.subf %add3A_140, %sub3A_147 : vector<16x128xf32>
      %sub3A_149 = vector.broadcast %div3A_146 : vector<1x128xf32> to vector<16x128xf32>
      %sub3A_150 = arith.subf %add3A_140, %sub3A_149 : vector<16x128xf32>
      %mul3A_151 = arith.mulf %sub3A_148, %sub3A_150 : vector<16x128xf32>
      %reduce_sum3A_152 = arith.constant dense<0.000000e+00> : vector<128xf32>
      %reduce_sum3A_153 = vector.multi_reduction <add>, %mul3A_151, %reduce_sum3A_152 [0] : vector<16x128xf32> to vector<128xf32>
      %broadcast_in_dim3A_154 = vector.shape_cast %reduce_sum3A_153 : vector<128xf32> to vector<1x128xf32>
      %div3A_155 = arith.constant 1.600000e+01 : f32
      %div3A_156 = vector.broadcast %div3A_155 : f32 to vector<1x128xf32>
      %div3A_157 = arith.divf %broadcast_in_dim3A_154, %div3A_156 : vector<1x128xf32>
      %sub3A_158 = vector.broadcast %div3A_146 : vector<1x128xf32> to vector<16x128xf32>
      %sub3A_159 = arith.subf %add3A_140, %sub3A_158 : vector<16x128xf32>
      %add3A_160 = arith.constant 9.99999974E-6 : f32
      %add3A_161 = vector.broadcast %add3A_160 : f32 to vector<1x128xf32>
      %add3A_162 = arith.addf %div3A_157, %add3A_161 : vector<1x128xf32>
      %rsqrt3A_163 = math.rsqrt %add3A_162 : vector<1x128xf32>
      %mul3A_164 = vector.broadcast %rsqrt3A_163 : vector<1x128xf32> to vector<16x128xf32>
      %mul3A_165 = arith.mulf %sub3A_159, %mul3A_164 : vector<16x128xf32>
      %get3A_166 = arith.constant 0 : index
      %get3A_167 = arith.constant 0 : index
      %get3A_168 = vector.load %arg16[%get3A_166, %get3A_167] : memref<1x128xf32, #tpu.memory_space<vmem>>, vector<1x128xf32>
      %mul3A_169 = vector.broadcast %get3A_168 : vector<1x128xf32> to vector<16x128xf32>
      %mul3A_170 = arith.mulf %mul3A_165, %mul3A_169 : vector<16x128xf32>
      %get3A_171 = arith.constant 0 : index
      %get3A_172 = arith.constant 0 : index
      %get3A_173 = vector.load %arg17[%get3A_171, %get3A_172] : memref<1x128xf32, #tpu.memory_space<vmem>>, vector<1x128xf32>
      %add3A_174 = vector.broadcast %get3A_173 : vector<1x128xf32> to vector<16x128xf32>
      %add3A_175 = arith.addf %mul3A_170, %add3A_174 : vector<16x128xf32>
      %max3A_176 = arith.constant 0.000000e+00 : f32
      %max3A_177 = vector.broadcast %max3A_176 : f32 to vector<16x128xf32>
      %max3A_178 = arith.maximumf %add3A_175, %max3A_177 : vector<16x128xf32>
      %swap3A_179 = arith.constant 0 : index
      %swap3A_180 = arith.constant 0 : index
      %swap3A_181 = vector.load %arg19[%swap3A_179, %swap3A_180] : memref<16x128xf32, #tpu.memory_space<vmem>>, vector<16x128xf32>
      tpu.vector_store %arg19[%swap3A_179, %swap3A_180], %max3A_178 {strides = array<i32>} : memref<16x128xf32, #tpu.memory_space<vmem>>, vector<16x128xf32>,
    } else {
    }
    %eq3A_28 = arith.constant 1 : i32
    %eq3A_29 = arith.cmpi eq, %select_n3A, %eq3A_28 : i32
    %convert_element_type3A_30 = arith.extui %eq3A_29 : i1 to i32
    %cond3A_31 = arith.constant 0 : i32
    %cond3A_32 = arith.cmpi ne, %convert_element_type3A_30, %cond3A_31 : i32
    scf.if %cond3A_32 {
      %get3A = arith.index_cast %rem3A_17 : i32 to index
      %get3A_33 = arith.constant 0 : index
      %get3A_34 = arith.constant 0 : index
      %get3A_35 = vector.load %arg20[%get3A, %get3A_33, %get3A_34] : memref<2x5000x128xf32, #tpu.memory_space<vmem>>, vector<1x5000x128xf32>
      %get3A_36 = vector.shape_cast %get3A_35 : vector<1x5000x128xf32> to vector<5000x128xf32>
      %get3A_37 = arith.constant 0 : index
      %get3A_38 = arith.constant 0 : index
      %get3A_39 = vector.load %arg25[%get3A_37, %get3A_38] : memref<1x128xf32, #tpu.memory_space<vmem>>, vector<1x128xf32>
      %mul3A = vector.broadcast %get3A_39 : vector<1x128xf32> to vector<5000x128xf32>
      %mul3A_40 = arith.mulf %get3A_36, %mul3A : vector<5000x128xf32>
      %get3A_41 = arith.constant 0 : index
      %get3A_42 = arith.constant 0 : index
      %get3A_43 = vector.load %arg26[%get3A_41, %get3A_42] : memref<1x128xf32, #tpu.memory_space<vmem>>, vector<1x128xf32>
      %add3A = vector.broadcast %get3A_43 : vector<1x128xf32> to vector<5000x128xf32>
      %add3A_44 = arith.addf %mul3A_40, %add3A : vector<5000x128xf32>
      %swap3A = arith.constant 0 : index
      %swap3A_45 = arith.constant 0 : index
      %swap3A_46 = vector.load %arg18[%swap3A, %swap3A_45] : memref<5000x128xf32, #tpu.memory_space<vmem>>, vector<5000x128xf32>
      tpu.vector_store %arg18[%swap3A, %swap3A_45], %add3A_44 {strides = array<i32>} : memref<5000x128xf32, #tpu.memory_space<vmem>>, vector<5000x128xf32>,
    } else {
    }
    return
  }
  func.func @transform_0(%arg0: i32) -> (i32, i32, i32) {
    %min3A = arith.constant 1 : i32
    %min3A_0 = arith.minsi %arg0, %min3A : i32
    %c0_i32 = arith.constant 0 : i32
    %c0_i32_1 = arith.constant 0 : i32
    %c0_i32_2 = arith.constant 0 : i32
    return %c0_i32, %min3A_0, %c0_i32_1 : i32, i32, i32
  }
  func.func @transform_1(%arg0: i32) -> (i32, i32) {
    %c0_i32 = arith.constant 0 : i32
    %c0_i32_0 = arith.constant 0 : i32
    %c0_i32_1 = arith.constant 0 : i32
    return %c0_i32, %c0_i32_0 : i32, i32
  }
  func.func @transform_2(%arg0: i32) -> (i32, i32) {
    %c0_i32 = arith.constant 0 : i32
    %c0_i32_0 = arith.constant 0 : i32
    %c0_i32_1 = arith.constant 0 : i32
    return %c0_i32, %c0_i32_0 : i32, i32
  }
  func.func @transform_3(%arg0: i32) -> (i32, i32, i32) {
    %min3A = arith.constant 1 : i32
    %min3A_0 = arith.minsi %arg0, %min3A : i32
    %c0_i32 = arith.constant 0 : i32
    %c0_i32_1 = arith.constant 0 : i32
    %c0_i32_2 = arith.constant 0 : i32
    return %min3A_0, %c0_i32, %c0_i32_1 : i32, i32, i32
  }
  func.func @transform_4(%arg0: i32) -> (i32, i32) {
    %c0_i32 = arith.constant 0 : i32
    %c0_i32_0 = arith.constant 0 : i32
    %c0_i32_1 = arith.constant 0 : i32
    return %c0_i32, %c0_i32_0 : i32, i32
  }
  func.func @transform_5(%arg0: i32) -> (i32, i32) {
    %c0_i32 = arith.constant 0 : i32
    %c0_i32_0 = arith.constant 0 : i32
    %c0_i32_1 = arith.constant 0 : i32
    return %c0_i32, %c0_i32_0 : i32, i32
  }
  func.func @transform_6(%arg0: i32) -> (i32, i32) {
    %c0_i32 = arith.constant 0 : i32
    %c0_i32_0 = arith.constant 0 : i32
    %c0_i32_1 = arith.constant 0 : i32
    return %c0_i32, %c0_i32_0 : i32, i32
  }
  func.func @transform_7(%arg0: i32) -> (i32, i32) {
    %c0_i32 = arith.constant 0 : i32
    %c0_i32_0 = arith.constant 0 : i32
    %c0_i32_1 = arith.constant 0 : i32
    return %c0_i32, %c0_i32_0 : i32, i32
  }
  func.func @transform_8(%arg0: i32) -> (i32, i32) {
    %c0_i32 = arith.constant 0 : i32
    %c0_i32_0 = arith.constant 0 : i32
    %c0_i32_1 = arith.constant 0 : i32
    return %c0_i32, %c0_i32_0 : i32, i32
  }
  func.func @transform_9(%arg0: i32) -> (i32, i32) {
    %c0_i32 = arith.constant 0 : i32
    %c0_i32_0 = arith.constant 0 : i32
    %c0_i32_1 = arith.constant 0 : i32
    return %c0_i32, %c0_i32_0 : i32, i32
  }
  func.func @transform_10(%arg0: i32) -> (i32, i32) {
    %c0_i32 = arith.constant 0 : i32
    %c0_i32_0 = arith.constant 0 : i32
    %c0_i32_1 = arith.constant 0 : i32
    return %c0_i32, %c0_i32_0 : i32, i32
  }
  func.func @transform_11(%arg0: i32) -> (i32, i32) {
    %c0_i32 = arith.constant 0 : i32
    %c0_i32_0 = arith.constant 0 : i32
    %c0_i32_1 = arith.constant 0 : i32
    return %c0_i32, %c0_i32_0 : i32, i32
  }
  func.func @transform_12(%arg0: i32) -> (i32, i32) {
    %c0_i32 = arith.constant 0 : i32
    %c0_i32_0 = arith.constant 0 : i32
    %c0_i32_1 = arith.constant 0 : i32
    return %c0_i32, %c0_i32_0 : i32, i32
  }
  func.func @transform_13(%arg0: i32) -> (i32, i32) {
    %c0_i32 = arith.constant 0 : i32
    %c0_i32_0 = arith.constant 0 : i32
    %c0_i32_1 = arith.constant 0 : i32
    return %c0_i32, %c0_i32_0 : i32, i32
  }
  func.func @transform_14(%arg0: i32) -> (i32, i32) {
    %c0_i32 = arith.constant 0 : i32
    %c0_i32_0 = arith.constant 0 : i32
    %c0_i32_1 = arith.constant 0 : i32
    return %c0_i32, %c0_i32_0 : i32, i32
  }
  func.func @transform_15(%arg0: i32) -> (i32, i32) {
    %c0_i32 = arith.constant 0 : i32
    %c0_i32_0 = arith.constant 0 : i32
    %c0_i32_1 = arith.constant 0 : i32
    return %c0_i32, %c0_i32_0 : i32, i32
  }
  func.func @transform_16(%arg0: i32) -> (i32, i32) {
    %c0_i32 = arith.constant 0 : i32
    %c0_i32_0 = arith.constant 0 : i32
    %c0_i32_1 = arith.constant 0 : i32
    return %c0_i32, %c0_i32_0 : i32, i32
  }
  func.func @transform_17(%arg0: i32) -> (i32, i32) {
    %sub3A = arith.constant 2 : i32
    %sub3A_0 = arith.subi %arg0, %sub3A : i32
    %max3A = arith.constant 0 : i32
    %max3A_1 = arith.maxsi %sub3A_0, %max3A : i32
    %c0_i32 = arith.constant 0 : i32
    %c0_i32_2 = arith.constant 0 : i32
    return %max3A_1, %c0_i32 : i32, i32
  }
  func.func @transform_18(%arg0: i32) -> (i32, i32) {
    %c0_i32 = arith.constant 0 : i32
    %c0_i32_0 = arith.constant 0 : i32
    %c0_i32_1 = arith.constant 0 : i32
    return %c0_i32, %c0_i32_0 : i32, i32
  }
}

</mosaic_0001>

<sc_bundles>
// kernel: kernel.5.cloned.1.call-start
scs
__scs_entry_jumppad:
0x0: {  	(pc) =	sbr.rel $0x88, $3  }
0x1: {  	(tag) =	ssettag $0x0;
	lr =	simm.s32 $0x1  }
0x2: {  	[smem:$0x3F8F] =	sst lr;
	_ =	strace $0xD0000000  }
0x3: {  	_ = 	snop  }
0x4: {  	_ = 	snop  }
0x5: {  	_ = 	snop  }
0x6: {  	_ = 	snop  }
0x7: {  	_ = 	snop  }
__scs_overlays_trampoline_lowered:
0x8: {  	[smem:$0x3F9E] =	sst s0  }
0x9: {  	[smem:$0x3F9F] =	sst s1  }
0xa: {  	[smem:$0x3FA0] =	sst s2  }
0xb: {  	[smem:$0x3FA1] =	sst s3  }
0xc: {  	[smem:$0x3FA2] =	sst s4  }
0xd: {  	[smem:$0x3FA3] =	sst s5  }
0xe: {  	[smem:$0x3FA4] =	sst s6  }
0xf: {  	[smem:$0x3FA5] =	sst s7  }
0x10: {  	[smem:$0x3FA6] =	sst s8  }
0x11: {  	[smem:$0x3FA7] =	sst s9;
	s0 =	simm.s32 @!p0 $0x0  }
0x12: {  	s1 =	sld [smem:$0x3F8D];
	s0 =	simm.s32 @p0 $0x1  }
0x13: {  	[smem:$0x3FA8] =	sst s0;
	s0 =	simm.s32 @!p1 $0x0  }
0x14: {  	s2 =	sld [smem:$0x3F8C];
	s0 =	simm.s32 @p1 $0x1  }
0x15: {  	[smem:$0x3FA9] =	sst s0;
	s0 =	simm.s32 @!p2 $0x0  }
0x16: {  	s3 =	sld [smem:$0x3FDB];
	s0 =	simm.s32 @p2 $0x1  }
0x17: {  	s4 =	simm.s32 $0x1BF5;
	[smem:$0x3FAB] =	sst s0  }
0x18: {  	s0 =	sld [smem:$0x3F8E];
	_ =	swait.ge [sflag:s4], $0x0  }
0x19: {  	s7 =	sld [smem:$0x3F8F]  }
0x1a: {  	s8 =	sadd.s32 $0xFFFFE003, lr  }
0x1b: {  	s9 =	sadd.s32 $0xFFFFFEF7, lr;
	s5 =	simm.s32 $0xFFFFFFFF;
	p2 =	slt.u32 s8, $0xFFFFF086  }
0x1c: {  	p1 =	slt.u32 s9, $0xF7A;
	s5 =	simm.s32 @!p2 $0x0  }
0x1d: {  	s5 =	simm.s32 @p1 $0x1;
	p0 =	seq.s32 s7, s2  }
0x1e: {  	s7 =	smul.u32 @!p0 $0xF7A, s2;
	p2 =	seq.s32 @!p0 s5, $0x0  }
0x1f: {  	s9 =	smul.u32 $0xF7A, s1;
	s8 =	simm.s32 @!p0 $0x1BF5;
	p2 =	por !p2, p0  }
0x20: {  	[sflag:s8] =	ssyncset.s32 @!p0 $0xFFFFF086;
	s6 =	sadd.s32 @!p0 s3, s7;
	s7 =	simm.s32 @!p0 $0x108  }
0x21: {  	s3 =	sadd.s32 s3, s9;
	s6 =	sadd.s32 @!p0 $0x88, s6;
	s7 =	simm.s32 @p2 $0x1082  }
0x22: {  	[simem:s7], [sflag:s8] =	dma.local @!p0 [hbm:s6], $0xF7A  }
0x23: {  	s9 =	sor.u32 $0xD0000000, s2;
	s6 =	simm.s32 $0x108;
	_ =	swait.ge @!p0 [sflag:s8], $0x0  }
0x24: {  	s3 =	sadd.s32 $0x88, s3;
	s6 =	simm.s32 @!p1 $0x1082;
	[sflag:s4] =	ssyncset.s32 $0xFFFFF086  }
0x25: {  	[simem:s6], [sflag:s4] =	dma.local [hbm:s3], $0xF7A  }
0x26: {  	[smem:$0x3F8F] =	sst s1;
	(tag) =	ssettag s2;
	_ =	strace s9  }
0x27: {  	s1 =	sld [smem:$0x3F9F]  }
0x28: {  	s2 =	sld [smem:$0x3FA0]  }
0x29: {  	s4 =	sld [smem:$0x3FA2]  }
0x2a: {  	p0 =	seq.s32 s5, $0x0;
	s5 =	sld [smem:$0x3FA3]  }
0x2b: {  	s6 =	sld [smem:$0x3FA4]  }
0x2c: {  	s7 =	sld [smem:$0x3FA5]  }
0x2d: {  	s3 =	simm.s32 $0x108;
	s8 =	sld [smem:$0x3FA6]  }
0x2e: {  	s3 =	simm.s32 @!p0 $0x1082;
	s9 =	sld [smem:$0x3FA7]  }
0x2f: {  	lr =	sadd.s32 s0, s3;
	s0 =	sld [smem:$0x3F9E]  }
0x30: {  	s3 =	sld [smem:$0x3FA1]  }
0x31: {  	[smem:$0x3FAA] =	sst s10  }
0x32: {  	s10 =	sld [smem:$0x3FA8];
	_ =	sdelay $0x3  }
0x33: {  	p0 =	seq.s32 s10, $0x1;
	s10 =	sld [smem:$0x3FAA];
	_ =	sdelay $0x3  }
0x34: {  	[smem:$0x3FAA] =	sst s10  }
0x35: {  	s10 =	sld [smem:$0x3FA9];
	_ =	sdelay $0x3  }
0x36: {  	p1 =	seq.s32 s10, $0x1;
	s10 =	sld [smem:$0x3FAA];
	_ =	sdelay $0x3  }
0x37: {  	[smem:$0x3FAA] =	sst s10  }
0x38: {  	s10 =	sld [smem:$0x3FAB]  }
0x39: {  	_ = 	snop;
	(pc) =	sbr.ind lr, $3  }
0x3a: {  	_ = 	snop  }
0x3b: {  	_ = 	snop  }
0x3c: {  	p2 =	seq.s32 s10, $0x1;
	s10 =	sld [smem:$0x3FAA]  }
0x3d: {  	_ =	shalt  }
0x3e: {  	_ =	shalt  }
0x3f: {  	_ =	shalt  }
0x40: {  	_ =	shalt  }
0x41: {  	_ =	shalt  }
0x42: {  	_ =	shalt  }
0x43: {  	_ =	shalt  }
0x44: {  	_ =	shalt  }
0x45: {  	_ =	shalt  }
0x46: {  	_ =	shalt  }
0x47: {  	_ =	shalt  }
0x48: {  	_ =	shalt  }
0x49: {  	_ =	shalt  }
0x4a: {  	_ =	shalt  }
0x4b: {  	_ =	shalt  }
0x4c: {  	_ =	shalt  }
0x4d: {  	_ =	shalt  }
0x4e: {  	_ =	shalt  }
0x4f: {  	_ =	shalt  }
0x50: {  	_ =	shalt  }
0x51: {  	_ =	shalt  }
0x52: {  	_ =	shalt  }
0x53: {  	_ =	shalt  }
0x54: {  	_ =	shalt  }
0x55: {  	_ =	shalt  }
0x56: {  	_ =	shalt  }
0x57: {  	_ =	shalt  }
0x58: {  	_ =	shalt  }
0x59: {  	_ =	shalt  }
0x5a: {  	_ =	shalt  }
0x5b: {  	_ =	shalt  }
0x5c: {  	_ =	shalt  }
0x5d: {  	_ =	shalt  }
0x5e: {  	_ =	shalt  }
0x5f: {  	_ =	shalt  }
0x60: {  	_ =	shalt  }
0x61: {  	_ =	shalt  }
0x62: {  	_ =	shalt  }
0x63: {  	_ =	shalt  }
0x64: {  	_ =	shalt  }
0x65: {  	_ =	shalt  }
0x66: {  	_ =	shalt  }
0x67: {  	_ =	shalt  }
0x68: {  	_ =	shalt  }
0x69: {  	_ =	shalt  }
0x6a: {  	_ =	shalt  }
0x6b: {  	_ =	shalt  }
0x6c: {  	_ =	shalt  }
0x6d: {  	_ =	shalt  }
0x6e: {  	_ =	shalt  }
0x6f: {  	_ =	shalt  }
0x70: {  	_ =	shalt  }
0x71: {  	_ =	shalt  }
0x72: {  	_ =	shalt  }
0x73: {  	_ =	shalt  }
0x74: {  	_ =	shalt  }
0x75: {  	_ =	shalt  }
0x76: {  	_ =	shalt  }
0x77: {  	_ =	shalt  }
0x78: {  	_ =	shalt  }
0x79: {  	_ =	shalt  }
0x7a: {  	_ =	shalt  }
0x7b: {  	_ =	shalt  }
0x7c: {  	_ =	shalt  }
0x7d: {  	_ =	shalt  }
0x7e: {  	_ =	shalt  }
0x7f: {  	_ =	shalt  }
0x80: {  	_ =	shalt  }
0x81: {  	_ =	shalt  }
0x82: {  	_ =	shalt  }
0x83: {  	_ =	shalt  }
0x84: {  	_ =	shalt  }
0x85: {  	_ =	shalt  }
0x86: {  	_ =	shalt  }
0x87: {  	_ =	shalt  }
.Lfunc_end0:
.L_simem_size_0:
called_computation_lowered:
.L_overlay_start_0:
0x88: {  	s2 =	sld [smem:$0x3FD9]  }
0x89: {  	s3 =	sld [smem:$0x3FFE];
	_ =	sdelay $0x1  }
0x8a: {  	s1 =	srdreg.scid  }
0x8b: {  	s0 =	sand.u32 $0x1, s1  }
0x8c: {  	s14 =	sshll.u32 s0, $0xA;
	s2 =	sadd.s32 s3, s2  }
0x8d: {  	s2 =	sadd.s32 s2, s14  }
0x8e: {  	[smem:$0x3FB6] =	sst s2  }
0x8f: {  	_ = 	snop  }
0x90: {  	s2 =	sld [smem:$0x3FD0];
	_ =	sdelay $0x2  }
0x91: {  	s15 =	simm.s32 $0xA;
	s4 =	simm.s32 $0x10  }
0x92: {  	[smem:s4], [sflag:s15] =	dma.local [hbm:s2], $0x1  }
0x93: {  	_ =	swait.eq [sflag:s15], $0x1  }
0x94: {  	[sflag:s15] =	ssyncset.done $0x0  }
0x95: {  	[sflag:s15] =	ssyncadd.s32 $0xFFFFFFFF  }
0x96: {  	s16 =	sld [smem:$0x10];
	(tm) =	ssettm $0x1  }
0x97: {  	s17 =	sld [smem:$0x3FFB];
	_ =	sdelay $0x3  }
0x98: {  	_ =	strace s17  }
0x99: {  	s3 =	sld [smem:$0x3FFC];
	_ =	sdelay $0x3  }
0x9a: {  	_ =	strace s3  }
0x9b: {  	s3 =	sld [smem:$0x3FFD];
	_ =	sdelay $0x3  }
0x9c: {  	_ =	strace s3  }
0x9d: {  	_ =	strace $0x8FFFFFFF  }
0x9e: {  	s18 =	sld [smem:$0x3FDB];
	_ =	sdelay $0x1  }
0x9f: {  	s19 =	simm.s32 $_scs_section_size  }
0xa0: {  	s5 =	simm.s32 $_size__tile_overlayer_lowered;
	s6 =	simm.s32 $_tile_overlayer_lowered  }
0xa1: {  	s22 =	simm.s32 $0x1BFF;
	s21 =	sshll.u32 s6, $0x1;
	s3 =	sadd.s32 s19, s18  }
0xa2: {  	s7 =	simm.s32 $0x0;
	s20 =	sshll.u32 s5, $0x1;
	s5 =	sadd.s32 s21, s3  }
0xa3: {  	[timem:s7], [sflag:s22] =	dma.local [hbm:s5], s20  }
0xa4: {  	_ =	swait.ge [sflag:s22], s20  }
0xa5: {  	s4 =	ssub.s32 $0x0, s20;
	[sflag:s22] =	ssyncset.done $0x0  }
0xa6: {  	[sflag:s22] =	ssyncadd.s32 s4;
	_ =	sdelay $0x1  }
0xa7: {  	s23 =	simm.s32 $0x1B8B  }
0xa8: {  	_ =	swait.ge [sflag:s23], $0x1  }
0xa9: {  	[sflag:s23] =	ssyncset.done $0x0  }
0xaa: {  	s25 =	simm.s32 $0x1B8E;
	s24 =	sld [smem:$0x3FFE];
	[sflag:s23] =	ssyncadd.s32 $0xFFFFFFFF  }
0xab: {  	s26 =	simm.s32 $execute0_lowered;
	[smem:$0x3FD2] =	sst s25  }
0xac: {  	s5 =	sshll.u32 s26, $0x1;
	_ =	strace $0x80000046;
	[dreg:$0x1] =	wrdreg $0xFFFFFFFF  }
0xad: {  	s28 =	simm.s32 $_size_execute0_lowered;
	s3 =	sadd.s32 s3, s5;
	[dreg:$0x0] =	wrdreg $0x0  }
0xae: {  	s5 =	sshll.u32 s28, $0x1;
	[dreg:$0x2] =	wrdreg s3  }
0xaf: {  	[dreg:$0x3] =	wrdreg s5  }
0xb0: {  	[dreg:$0x4] =	wrdreg $0xC0  }
0xb1: {  	_ =	task [dreg:s7], $0x5FFFF  }
0xb2: {  	[dreg:$0x1] =	wrdreg $0xFFFFFFFF  }
0xb3: {  	[dreg:$0x0] =	wrdreg $0x60  }
0xb4: {  	[dreg:$0x2] =	wrdreg s16  }
0xb5: {  	[dreg:$0x3] =	wrdreg s24  }
0xb6: {  	[dreg:$0x4] =	wrdreg $0x83000  }
0xb7: {  	[dreg:$0x5] =	wrdreg $0x9  }
0xb8: {  	_ =	task.clear_ibuf [dreg:s7], $0x6FFFF;
	_ =	strace $0x90000046  }
0xb9: {  	s29 =	simm.s32 $0x9;
	_ =	strace $0x80000048  }
0xba: {  	_ =	swait.ge [sflag:s29], $0x1  }
0xbb: {  	[sflag:s29] =	ssyncadd.s32 $0xFFFFFFFF  }
0xbc: {  	_ =	strace $0x90000048  }
0xbd: {  	_ =	sfence  }
0xbe: {  	s30 =	sld [smem:$0x0];
	_ =	sdelay $0x2  }
0xbf: {  	s31 =	sshll.u32 s1, $0xD;
	s1 =	sshrl.u32 s1, $0x2  }
0xc0: {  	s3 =	sand.u32 $0x4000, s31;
	s1 =	sadd.s32 s1, s30  }
0xc1: {  	s0 =	sor.u32 s3, s0;
	s1 =	sshll.u32 s1, $0x11  }
0xc2: {  	s0 =	sor.u32 s1, s0  }
0xc3: {  	s0 =	sadd.s32 $0x8F2B, s0  }
0xc4: {  	[sflag:s0] =	ssyncadd.remote.s32 $0x1  }
0xc5: {  	_ =	sfence.sel $0xFFFF  }
0xc6: {  	[dreg:$0x0] =	wrdreg $0xFFFFFFFF;
	(pc) =	sbr.abs _section_cstart, $3  }
0xc7: {  	[dreg:$0x1] =	wrdreg $0xFFFFFFFF  }
0xc8: {  	_ =	task.clear_ibuf [dreg:s7], $0x2FFFF;
	_ =	strace $0x9FFFFFFF  }
0xc9: {  	(tm) =	ssettm $0x7FFFFFFF  }
tec
execute0_lowered:
.L_overlay_start_1:
0x0: {  	(tag) =	ssettag $0x1  }
0x1: {  	s0 =	rddreg [dreg:$0x0]  }
0x2: {  	s1 =	rddreg [dreg:$0x1];
	s2 =	srdreg.scid  }
0x3: {  	s3 =	rddreg [dreg:$0x2];
	s8 =	stileid.u32;
	s4 =	simm.s32 $0x0  }
0x4: {  	s28 =	simm.s32 $0x8;
	s29 =	simm.s32 $0x9;
	s6 =	smul.u32 $0x14000, s8  }
0x5: {  	s30 =	simm.s32 $0x0;
	s2 =	sand.u32 $0x1, s2;
	s7 =	smul.u32 $0x50000, s8  }
0x6: {  	[smem:$0x7FF] =	sst s4;
	s9 =	sadd.s32 $0x16A00, s1;
	s5 =	smul.u32 $0x140000, s2  }
0x7: {  	_ =	strace $0x80000047;
	s21 =	sshll.u32 s2, $0x4;
	s2 =	ssub.s32 $0x2, s2  }
0x8: {  	[dreg:$0x4] =	wrdreg s9;
	s7 =	sshrl.u32 s7, $0x2;
	s22 =	sshrl.u32 s2, $0x1  }
0x9: {  	s6 =	sadd.s32 s6, s5;
	s5 =	sadd.s32 $0x2A00, s1;
	s7 =	sadd.s32 s7, s3  }
0xa: {  	s2 =	ssub.s32 s2, s22;
	s22 =	simm.s32 $0xA;
	s6 =	sshrl.u32 s6, $0x3  }
0xb: {  	s23 =	sadd.s32 $0x3C00, s7;
	s24 =	sadd.s32 $0x7800, s7;
	s25 =	sadd.s32 $0xB400, s7  }
0xc: {  	s13 =	sadd.s32 $0xF000, s7;
	s1 =	sadd.s32 s6, s1;
	s6 =	sor.u32 s8, s21  }
0xd: {  	s15 =	sadd.s32 $0x12C00, s7;
	[dreg:$0x5] =	wrdreg s23;
	s8 =	smul.u32 $0x2800, s6  }
.Ltmp0:
0xe: {  	s20 =	smax.u32 s2, $0x1;
	[dreg:$0x6] =	wrdreg s24;
	(pc) =	sbr.rel .LBB2_1-.Ltmp0, $4  }
0xf: {  	[dreg:$0x7] =	wrdreg s25;
	s21 =	simm.s32 $0x300;
	s25 =	simm.s32 $0x7D  }
0x10: {  	s19 =	sadd.s32 $0x17200, s1;
	s26 =	sshrl.u32 s8, $0x3;
	s12 =	sadd.s32 $0x50000, s8  }
0x11: {  	s14 =	sadd.s32 s5, s26;
	s31 =	sshrl.u32 s12, $0x3;
	s26 =	simm.s32 $0x100  }
0x12: {  	s16 =	sadd.s32 s5, s31;
	s17 =	sadd.s32 $0x10, s14;
	s18 =	sadd.s32 $0xA010, s14  }
.LBB2_11:
0x13: {  	_ =	swait.ge [sflag:s28], $0x3E80  }
0x14: {  	[sflag:s28] =	ssyncset.done $0x0  }
0x15: {  	[sflag:s28] =	ssyncadd.s32 $0xFFFFC180  }
0x16: {  	s1 =	stileid.u32;
	_ =	swait.ge [sflag:s29], $0x3E80  }
0x17: {  	s2 =	sshrl.u32 s7, $0x3;
	s30 =	sadd.s32 $0x1, s30;
	[sflag:s29] =	ssyncset.done $0x0  }
0x18: {  	s1 =	sshll.u32 s1, $0x6;
	p0 =	sne.s32 s30, s20;
	[sflag:s29] =	ssyncadd.s32 $0xFFFFC180  }
.Ltmp1:
0x19: {  	s1 =	sor.u32 $0x1C0A, s1;
	[bflag:$0x0] =	sbarrier.arrive $0xFFFF;
	(pc) =	sbr.rel @!p0 .LBB2_12-.Ltmp1, $4  }
0x1a: {  	[hbm:s19], [sflag:s1] =	dma.local [spmem:s2], $0x2800  }
0x1b: {  	_ =	swait.ge [sflag:s22], $0x2800  }
0x1c: {  	[sflag:s22] =	ssyncset.done $0x0  }
0x1d: {  	[sflag:s22] =	ssyncadd.s32 $0xFFFFD800  }
.LBB2_1:
0x1e: {  	s1 =	rddreg [dreg:$0x4]  }
0x1f: {  	[tilespmem:s21], [sflag:$0xA] =	stream.linear.gather [hbm4b:s1+s4], $0x3C00, $0x38;
	[tilespmem:$0x1C300] =	vst v63  }
0x20: {  	_ =	swait.ge [sflag:s22], $0x3C00  }
0x21: {  	[sflag:s22] =	ssyncset.done $0x0  }
0x22: {  	[sflag:s22] =	ssyncadd.s32 $0xFFFFC400  }
0x23: {  	[spmem:s7] =	stream.linear.scatter [tilespmem:s21], [sflag:$0xA], $0x3C00, $0x38;
	[tilespmem:$0x1C300] =	vst v63  }
0x24: {  	_ =	swait.ge [sflag:s22], $0x3C00  }
0x25: {  	[sflag:s22] =	ssyncset.done $0x0  }
0x26: {  	s9 =	rddreg [dreg:$0x5];
	[sflag:s22] =	ssyncadd.s32 $0xFFFFC400  }
0x27: {  	[spmem:s9] =	stream.linear.scatter [tilespmem:s21], [sflag:$0xA], $0x3C00, $0x38;
	[tilespmem:$0x1C300] =	vst v63  }
0x28: {  	_ =	swait.ge [sflag:s22], $0x3C00  }
0x29: {  	[sflag:s22] =	ssyncset.done $0x0  }
0x2a: {  	s10 =	rddreg [dreg:$0x6];
	[sflag:s22] =	ssyncadd.s32 $0xFFFFC400  }
0x2b: {  	[spmem:s10] =	stream.linear.scatter [tilespmem:s21], [sflag:$0xA], $0x3C00, $0x38;
	[tilespmem:$0x1C300] =	vst v63  }
0x2c: {  	_ =	swait.ge [sflag:s22], $0x3C00  }
0x2d: {  	[sflag:s22] =	ssyncset.done $0x0  }
0x2e: {  	s11 =	rddreg [dreg:$0x7];
	[sflag:s22] =	ssyncadd.s32 $0xFFFFC400  }
0x2f: {  	[spmem:s11] =	stream.linear.scatter [tilespmem:s21], [sflag:$0xA], $0x3C00, $0x38;
	[tilespmem:$0x1C300] =	vst v63  }
0x30: {  	_ =	swait.ge [sflag:s22], $0x3C00  }
0x31: {  	[sflag:s22] =	ssyncset.done $0x0  }
0x32: {  	[sflag:s22] =	ssyncadd.s32 $0xFFFFC400  }
0x33: {  	[spmem:s13] =	stream.linear.scatter [tilespmem:s21], [sflag:$0xA], $0x3C00, $0x38;
	[tilespmem:$0x1C300] =	vst v63  }
0x34: {  	_ =	swait.ge [sflag:s22], $0x3C00  }
0x35: {  	[sflag:s22] =	ssyncset.done $0x0  }
0x36: {  	[sflag:s22] =	ssyncadd.s32 $0xFFFFC400  }
0x37: {  	[spmem:s15] =	stream.linear.scatter [tilespmem:s21], [sflag:$0xA], $0x1400, $0x38;
	[tilespmem:$0x1C300] =	vst v63  }
0x38: {  	_ =	swait.ge [sflag:s22], $0x1400  }
0x39: {  	[sflag:s22] =	ssyncset.done $0x0  }
0x3a: {  	[sflag:s22] =	ssyncadd.s32 $0xFFFFEC00  }
0x3b: {  	[tilespmem:s4], [sflag:$0xA] =	stream.linear.gather [hbm4b:s14+s4], $0x80, $0x38;
	[tilespmem:$0x1C300] =	vst v63  }
0x3c: {  	_ =	swait.ge [sflag:s22], $0x80  }
0x3d: {  	[sflag:s22] =	ssyncset.done $0x0  }
0x3e: {  	[sflag:s22] =	ssyncadd.s32 $0xFFFFFF80  }
0x3f: {  	[tilespmem:s26], [sflag:$0xA] =	stream.linear.gather [hbm4b:s16+s4], $0x80, $0x38;
	[tilespmem:$0x1C300] =	vst v63  }
0x40: {  	_ =	swait.ge [sflag:s22], $0x80  }
0x41: {  	[sflag:s22] =	ssyncset.done $0x0  }
0x42: {  	s23 =	simm.s32 $0x80;
	[sflag:s22] =	ssyncadd.s32 $0xFFFFFF80  }
0x43: {  	[tilespmem:s23], [sflag:$0x2] =	stream.linear.gather [hbm4b:s17+s4], $0x80, $0x38;
	[tilespmem:$0x1C300] =	vst v63  }
0x44: {  	s24 =	simm.s32 $0x180  }
0x45: {  	[tilespmem:s24], [sflag:$0x4] =	stream.linear.gather [hbm4b:s18+s4], $0x80, $0x38;
	[tilespmem:$0x1C300] =	vst v63  }
.Ltmp2:
0x46: {  	_ = 	snop;
	(pc) =	sbr.rel .LBB2_2-.Ltmp2, $4  }
0x47: {  	_ = 	snop  }
0x48: {  	[tilespmem:s21], [sflag:$0x6] =	stream.indirect.gather [hbm4b:s0+s25], $0x80, s4, s25, $0xb8;
	[tilespmem:$0x1C300] =	vst v63  }
0x49: {  	[bflag:$0x0] =	sbarrier.arrive $0xFFFF  }
0x4a: {  	s31 =	simm.s32 $0x100;
	s1 =	simm.s32 $0x0  }
.LBB2_7:
0x4b: {  	[spmem:s3] =	stream.indirect.scatter.add.f32 [tilespmem:s24], [sflag:s6], $0x80, s26, s25, $0xb8;
	[tilespmem:$0x1C300] =	vst v63  }
.LBB2_9:
0x4c: {  	s1 =	sadd.s32 $0x2, s1  }
0x4d: {  	s6 =	sand.u32 $0x7C00, s31;
	s9 =	smul.u32 $0xAB, s1  }
0x4e: {  	s24 =	sand.u32 $0x380, s31;
	s10 =	sadd.s32 s8, s6  }
0x4f: {  	s10 =	sor.u32 s24, s10;
	s9 =	sshrl.u32 s9, $0x9  }
0x50: {  	s11 =	sshll.u32 s23, $0x7;
	s10 =	sshrl.u32 s10, $0x3;
	s9 =	sand.u32 $0x7F, s9  }
0x51: {  	s23 =	sadd.s32 $0x1, s23;
	s10 =	sadd.s32 s5, s10;
	s9 =	smul.u32 $0x3, s9  }
0x52: {  	[tilespmem:s11], [sflag:s23] =	stream.linear.gather [hbm4b:s10+s4], $0x80, $0x38;
	[tilespmem:$0x1C300] =	vst v63  }
0x53: {  	s6 =	sadd.s32 s12, s6;
	s1 =	ssub.s32 s1, s9  }
0x54: {  	s6 =	sor.u32 s24, s6;
	s1 =	sand.u32 $0xFF, s1  }
0x55: {  	s6 =	sshrl.u32 s6, $0x3;
	s24 =	sshll.u32 s1, $0x7  }
0x56: {  	s6 =	sadd.s32 s5, s6;
	s1 =	sadd.s32 $0x3, s1;
	s9 =	sadd.s32 $0x100, s24  }
0x57: {  	[tilespmem:s9], [sflag:s1] =	stream.linear.gather [hbm4b:s6+s4], $0x80, $0x38;
	[tilespmem:$0x1C300] =	vst v63  }
.LBB2_10:
0x58: {  	p0 =	sne.s32 s2, $0x50  }
.Ltmp3:
0x59: {  	_ = 	snop;
	(pc) =	sbr.rel @!p0 .LBB2_11-.Ltmp3, $2  }
0x5a: {  	_ =	sdelay $0x2  }
0x5b: {  	s31 =	sadd.s32 $0x80, s31;
	s1 =	smov.u32 s2  }
.LBB2_2:
0x5c: {  	p0 =	seq.s32 s1, $0x0  }
.Ltmp4:
0x5d: {  	_ = 	snop;
	(pc) =	sbr.rel @p0 .LBB2_5-.Ltmp4, $3  }
0x5e: {  	_ =	sdelay $0x1  }
0x5f: {  	s2 =	sadd.s32 $0x1, s1  }
0x60: {  	s23 =	sand.u32 $0x1, s2  }
0x61: {  	p0 =	seq.s32 s1, $0x4F  }
.Ltmp5:
0x62: {  	_ = 	snop;
	(pc) =	sbr.rel @p0 .LBB2_6-.Ltmp5, $1  }
0x63: {  	_ =	sdelay $0x3  }
0x64: {  	s6 =	sor.u32 $0x8, s23  }
0x65: {  	_ =	swait.ge [sflag:s6], $0x3E80  }
0x66: {  	[sflag:s6] =	ssyncset.done $0x0  }
0x67: {  	[sflag:s6] =	ssyncadd.s32 $0xFFFFC180  }
.LBB2_5:
0x68: {  	s6 =	sadd.s32 $0x1, s23  }
0x69: {  	_ =	swait.ge [sflag:s6], $0x80  }
0x6a: {  	s24 =	sshll.u32 s23, $0x7;
	s9 =	sshll.u32 s23, $0xE;
	[sflag:s6] =	ssyncset.done $0x0  }
0x6b: {  	s23 =	sor.u32 $0x6, s23;
	s11 =	sor.u32 $0x300, s9;
	[sflag:s6] =	ssyncadd.s32 $0xFFFFFF80  }
0x6c: {  	[tilespmem:s11], [sflag:s23] =	stream.indirect.gather [hbm4b:s0+s25], $0x80, s24, s25, $0xb8;
	[tilespmem:$0x1C300] =	vst v63  }
.LBB2_6:
0x6d: {  	p0 =	sne.s32 s1, $0x0  }
.Ltmp6:
0x6e: {  	s23 =	sand.u32 $0x1, s1;
	(pc) =	sbr.rel @!p0 .LBB2_7-.Ltmp6, $4  }
0x6f: {  	s6 =	sor.u32 $0x6, s23  }
0x70: {  	_ =	swait.ge [sflag:s6], $0x3E80  }
0x71: {  	s9 =	sshll.u32 s23, $0xE;
	[sflag:s6] =	ssyncset.done $0x0  }
0x72: {  	s24 =	sor.u32 $0x300, s9;
	[sflag:s6] =	ssyncadd.s32 $0xFFFFC180;
	s6 =	sor.u32 $0x8, s23  }
0x73: {  	s9 =	smul.u32 $0xAB, s1;
	_ =	sdelay $0x1  }
0x74: {  	s9 =	sshrl.u32 s9, $0x9  }
0x75: {  	s9 =	sand.u32 $0x7F, s9  }
0x76: {  	s9 =	smul.u32 $0x3, s9;
	_ =	sdelay $0x1  }
0x77: {  	s9 =	ssub.s32 s1, s9  }
0x78: {  	p0 =	sgt.u32 s1, $0x4D;
	s9 =	sand.u32 $0xFF, s9  }
.Ltmp7:
0x79: {  	s10 =	sadd.s32 $0x3, s9;
	(pc) =	sbr.rel @p0 .LBB2_10-.Ltmp7, $4  }
.Ltmp8:
0x7a: {  	_ =	swait.ge [sflag:s10], $0x80;
	(pc) =	sbr.rel @!p0 .LBB2_9-.Ltmp8, $4  }
0x7b: {  	s9 =	sshll.u32 s9, $0x7;
	[sflag:s10] =	ssyncset.done $0x0  }
0x7c: {  	s9 =	sadd.s32 $0x100, s9;
	[sflag:s10] =	ssyncadd.s32 $0xFFFFFF80  }
0x7d: {  	[spmem:s3] =	stream.indirect.scatter.add.f32 [tilespmem:s24], [sflag:s6], $0x80, s9, s25, $0xb8;
	[tilespmem:$0x1C300] =	vst v63  }
0x7e: {  	_ = 	snop  }
.LBB2_12:
0x7f: {  	_ =	sfence.sel $0x180000  }
0x80: {  	[bflag:$0x0] =	sbarrier.arrive $0xFFFF  }
0x81: {  	_ =	strace $0x90000047  }
0x82: {  	s0 =	stileid.u32;
	[bflag:$0x2] =	sbarrier.arrive $0xFFFF  }
0x83: {  	p0 =	sne.s32 s0, $0x0;
	s0 =	rddreg [dreg:$0x3]  }
0x84: {  	s0 =	sadd.s32 @!p0 $0x100000, s0  }
0x85: {  	[sflag:s0] =	ssyncadd.tile.s32 @!p0 $0x1;
	_ =	shalt  }
.Lfunc_end2:
_tile_overlayer_lowered:
.L_overlay_start_2:
0x86: {  	(tag) =	ssettag $0x2  }
0x87: {  	s0 =	rddreg [dreg:$0x0];
	s2 =	stileid.u32  }
0x88: {  	s1 =	rddreg [dreg:$0x1];
	p0 =	sne.s32 s2, $0x0  }
0x89: {  	s3 =	rddreg [dreg:$0x2];
	[bflag:$0x3] =	sbarrier.arrive $0xFFFF;
	s2 =	simm.s32 @!p0 $0x1C0A  }
0x8a: {  	[timem:s3], [sflag:s2] =	dma.local @!p0 [hbm:s0], s1  }
0x8b: {  	s0 =	simm.s32 @!p0 $0xA  }
0x8c: {  	_ =	swait.ge @!p0 [sflag:s0], s1  }
0x8d: {  	s1 =	ssub.s32 @!p0 $0x0, s1;
	[sflag:s0] =	ssyncset.done @!p0 $0x0  }
0x8e: {  	[sflag:s0] =	ssyncadd.s32 @!p0 s1  }
0x8f: {  	[bflag:$0x3] =	sbarrier.arrive $0xFFFF  }
0x90: {  	_ =	shalt  }

</sc_bundles>
